<compile_context>
chip_gen: v7x
topology: tpu7x:2x2x1
jax: 0.10.2.dev20260603
libtpu: 0.0.44.dev20260713+nightly
codegen_flags: <defaults>
</compile_context>

<pallas_src>
import dataclasses
import functools

import jax
import jax.numpy as jnp
from jax.experimental import pallas as pl
from jax.experimental.pallas import tpu as pltpu
from jax.experimental.pallas import tpu_sc as plsc

_EPS = 0.1
_NUM_GRAPHS = 64
_LANE = 16
_NSC = 16
_CHUNK = 6272
_SENTINEL = 64


def _sc_body(
    n,
    pred_hbm,
    targ_hbm,
    batch_hbm,
    out_hbm,
    p_v,
    t_v,
    b_v,
    bins_v,
    shared_v,
    agg_v,
    tail_v,
    res_v,
    sem_p,
    sem_t,
    sem_b,
):
    sid = jax.lax.axis_index("s")
    off = sid * _CHUNK
    cp_p = pltpu.async_copy(pred_hbm.at[pl.ds(off, _CHUNK)], p_v, sem_p)
    cp_t = pltpu.async_copy(targ_hbm.at[pl.ds(off, _CHUNK)], t_v, sem_t)
    cp_b = pltpu.async_copy(batch_hbm.at[pl.ds(off, _CHUNK)], b_v, sem_b)
    cp_p.wait()
    cp_t.wait()
    cp_b.wait()

    zeros = jnp.zeros((_LANE,), jnp.float32)
    lane = jax.lax.iota(jnp.int32, _LANE)
    acc_mask = lane < 2
    acc_off = jnp.where(lane == 1, jnp.int32(128), jnp.int32(0))

    @pl.loop(0, 256 // _LANE)
    def _(j):
        bins_v[pl.ds(j * _LANE, _LANE)] = zeros

    def acc(g, s, c):
        idx = jnp.full((_LANE,), g, jnp.int32) + acc_off
        val = jnp.where(lane == 0, s, c)
        plsc.addupdate_scatter(bins_v, [idx], val, mask=acc_mask)

    def vec_rel(base):
        p16 = p_v[pl.ds(base, _LANE)]
        t16 = t_v[pl.ds(base, _LANE)]
        return jnp.abs(p16 - t16) / (jnp.abs(t16) + _EPS)

    def vec_slow(base):
        b16 = b_v[pl.ds(base, _LANE)]
        rel = vec_rel(base)
        b0 = b16[0]
        b15 = b16[_LANE - 1]

        def gbody(g, carry):
            m = b16 == g
            s = jnp.sum(jnp.where(m, rel, jnp.float32(0.0)))
            c = jnp.sum(jnp.where(m, jnp.float32(1.0), jnp.float32(0.0)))
            acc(g, s, c)
            return carry

        jax.lax.fori_loop(b0, b15 + 1, gbody, jnp.int32(0))

    def wbody(i, carry):
        g, accv, c = carry
        base = i * (4 * _LANE)
        b_first = b_v[pl.ds(base, _LANE)][0]
        b_last = b_v[pl.ds(base + 3 * _LANE, _LANE)][_LANE - 1]
        r = (vec_rel(base) + vec_rel(base + _LANE)) + (
            vec_rel(base + 2 * _LANE) + vec_rel(base + 3 * _LANE)
        )
        uniform = b_first == b_last
        same = jnp.logical_and(uniform, b_first == g)

        def fast_append(_):
            return (g, accv + r, c + jnp.float32(4 * _LANE))

        def changed(_):
            acc(g, jnp.sum(accv), c)

            def uni(_):
                return (b_first, r, jnp.float32(4 * _LANE))

            def slow(_):
                for k in range(4):
                    vec_slow(base + k * _LANE)
                return (b_last, jnp.zeros((_LANE,), jnp.float32), jnp.float32(0.0))

            return jax.lax.cond(uniform, uni, slow, 0)

        return jax.lax.cond(same, fast_append, changed, 0)

    g0 = b_v[pl.ds(0, _LANE)][0]
    carry0 = (g0, jnp.zeros((_LANE,), jnp.float32), jnp.float32(0.0))
    gf, accf, cf = jax.lax.fori_loop(0, _CHUNK // (4 * _LANE), wbody, carry0)
    acc(gf, jnp.sum(accf), cf)

    pltpu.sync_copy(bins_v, shared_v.at[sid])
    plsc.subcore_barrier()

    @pl.when(sid == 0)
    def _():
        pltpu.sync_copy(shared_v, agg_v)
        pltpu.sync_copy(batch_hbm.at[pl.ds(n - _LANE, _LANE)], tail_v)
        ng = tail_v[...][_LANE - 1] + 1

        tv = jnp.zeros((_LANE,), jnp.float32)
        for j in range(_NUM_GRAPHS // _LANE):

            def red(col, accv):
                def rbody(part, a):
                    return a + agg_v[part, pl.ds(col, _LANE)]

                return jax.lax.fori_loop(0, _NSC, rbody, accv)

            s16 = red(j * _LANE, jnp.zeros((_LANE,), jnp.float32))
            c16 = red(128 + j * _LANE, jnp.zeros((_LANE,), jnp.float32))
            ids = lane + j * _LANE
            tv = tv + jnp.where(ids < ng, s16 / c16, jnp.float32(0.0))

        total = jnp.sum(tv)
        ngf = ng.astype(jnp.float32)
        res_v[...] = (
            jnp.full((_LANE,), total, jnp.float32)
            / jnp.full((_LANE,), ngf, jnp.float32)
            * 10000.0
        )
        pltpu.sync_copy(res_v, out_hbm)


def _sc_call(pred, target, batch, n):
    mesh = plsc.VectorSubcoreMesh(
        core_axis_name="c", subcore_axis_name="s", num_cores=1
    )
    cp = pltpu.CompilerParams()
    if "needs_layout_passes" in pltpu.CompilerParams.__dataclass_fields__:
        cp = dataclasses.replace(cp, needs_layout_passes=False)
    kern = pl.kernel(
        functools.partial(_sc_body, n),
        out_type=jax.ShapeDtypeStruct((_LANE,), jnp.float32),
        mesh=mesh,
        scratch_types=[
            pltpu.VMEM((_CHUNK,), jnp.float32),
            pltpu.VMEM((_CHUNK,), jnp.float32),
            pltpu.VMEM((_CHUNK,), jnp.int32),
            pltpu.VMEM((256,), jnp.float32),
            pltpu.VMEM_SHARED((_NSC, 256), jnp.float32),
            pltpu.VMEM((_NSC, 256), jnp.float32),
            pltpu.VMEM((_LANE,), jnp.int32),
            pltpu.VMEM((_LANE,), jnp.float32),
            pltpu.SemaphoreType.DMA,
            pltpu.SemaphoreType.DMA,
            pltpu.SemaphoreType.DMA,
        ],
        compiler_params=cp,
    )
    return kern(pred, target, batch)


def kernel(pred, target, batch, x):
    del x
    n = pred.shape[0]
    batch = batch.astype(jnp.int32)
    padded = _NSC * _CHUNK
    pad = padded - n
    pred2 = jnp.pad(pred, (0, pad))
    targ2 = jnp.pad(target, (0, pad))
    batch2 = jnp.pad(batch, (0, pad), constant_values=_SENTINEL)
    out = _sc_call(pred2, targ2, batch2, n)
    return out[0].reshape(())

# --- scband reference (transcript-rebuilt; emitter-appended) ---
"""Pipeline reference for scband-graph-relative-error-40346922778983 (READ-ONLY COPY).

The authoritative reference and input builder live on the scoring server;
editing this copy changes nothing except your own understanding.
"""

import jax, jax.numpy as jnp
import numpy as np

EPSILON = 0.1
NUM_GRAPHS = 64

def setup_inputs(seed: int = 0) -> dict:
    key = jax.random.key(seed)
    k1, k2, k3, k4 = jax.random.split(key, 4)
    N = 100000
    pred = jax.random.normal(k1, (N,), dtype=jnp.float32)
    target = jax.random.normal(k2, (N,), dtype=jnp.float32)
    batch = jnp.sort(jax.random.randint(k3, (N,), 0, NUM_GRAPHS)).astype(jnp.int64)
    x = jax.random.normal(k4, (N, 128), dtype=jnp.float32)
    return {"pred": pred, "target": target, "batch": batch, "x": x}

def reference(pred, target, batch, x):
    # batch is not None path of GraphRelativeError.forward
    num_graphs = jnp.max(batch) + 1
    rel_errors = jnp.abs(pred - target) / (jnp.abs(target) + EPSILON)
    # per-graph mean of relative errors (the torch loop computes mean per graph)
    sums = jax.ops.segment_sum(rel_errors, batch, num_segments=NUM_GRAPHS)
    counts = jax.ops.segment_sum(jnp.ones_like(rel_errors), batch, num_segments=NUM_GRAPHS)
    graph_means = sums / counts
    seg_ids = jnp.arange(NUM_GRAPHS)
    valid_means = jnp.where(seg_ids < num_graphs, graph_means, jnp.zeros_like(graph_means))
    mean_over_graphs = jnp.sum(valid_means) / num_graphs.astype(valid_means.dtype)
    return mean_over_graphs * 10000.0

if __name__ == "__main__":
    import jax
    _d = setup_inputs()
    print(jax.jit(kernel)(*tuple(_d.values())))

</pallas_src>

<mosaic_0001>
#map = affine_map<(d0, d1) -> (0)>
module attributes {stable_mosaic.version = 14 : i64} {
  func.func @_sc_body(%arg0: i32, %arg1: i32, %arg2: memref<100352xf32, #tpu.memory_space<hbm>>, %arg3: memref<100352xf32, #tpu.memory_space<hbm>>, %arg4: memref<100352xi32, #tpu.memory_space<hbm>>, %arg5: memref<16xf32, #tpu.memory_space<hbm>>, %arg6: memref<6272xf32, #tpu.memory_space<vmem>>, %arg7: memref<6272xf32, #tpu.memory_space<vmem>>, %arg8: memref<6272xi32, #tpu.memory_space<vmem>>, %arg9: memref<256xf32, #tpu.memory_space<vmem>>, %arg10: memref<16x256xf32, #tpu.memory_space<vmem_shared>>, %arg11: memref<16x256xf32, #tpu.memory_space<vmem>>, %arg12: memref<16xi32, #tpu.memory_space<vmem>>, %arg13: memref<16xf32, #tpu.memory_space<vmem>>, %arg14: memref<!tpu.dma_semaphore, #tpu.memory_space<semaphore_mem>>, %arg15: memref<!tpu.dma_semaphore, #tpu.memory_space<semaphore_mem>>, %arg16: memref<!tpu.dma_semaphore, #tpu.memory_space<semaphore_mem>>) attributes {dimension_semantics = [#tpu.dimension_semantics<core_parallel>, #tpu.dimension_semantics<subcore_parallel>], iteration_bounds = array<i64: 1, 16>, scalar_prefetch = 0 : i64, scratch_operands = 11 : i64, tpu.core_type = #tpu.core_type<sc_vector_subcore>, window_params = [{transform_indices = #map}, {transform_indices = #map}, {transform_indices = #map}, {transform_indices = #map}]} {
    %mul3A = arith.constant 6272 : i32
    %mul3A_0 = arith.muli %arg1, %mul3A : i32
    %dma_start3A = tpu.memref_slice %arg2[%mul3A_0] : memref<100352xf32, #tpu.memory_space<hbm>> -> memref<6272xf32, #tpu.memory_space<hbm>>
    %dma_start3A_1 = tpu.memref_slice %arg2[%mul3A_0] : memref<100352xf32, #tpu.memory_space<hbm>> -> memref<6272xf32, #tpu.memory_space<hbm>>
    tpu.enqueue_dma source(%dma_start3A_1 : memref<6272xf32, #tpu.memory_space<hbm>>) target(%arg6 : memref<6272xf32, #tpu.memory_space<vmem>>) target_semaphore(%arg14 : memref<!tpu.dma_semaphore, #tpu.memory_space<semaphore_mem>>)
    %dma_start3A_2 = tpu.memref_slice %arg3[%mul3A_0] : memref<100352xf32, #tpu.memory_space<hbm>> -> memref<6272xf32, #tpu.memory_space<hbm>>
    %dma_start3A_3 = tpu.memref_slice %arg3[%mul3A_0] : memref<100352xf32, #tpu.memory_space<hbm>> -> memref<6272xf32, #tpu.memory_space<hbm>>
    tpu.enqueue_dma source(%dma_start3A_3 : memref<6272xf32, #tpu.memory_space<hbm>>) target(%arg7 : memref<6272xf32, #tpu.memory_space<vmem>>) target_semaphore(%arg15 : memref<!tpu.dma_semaphore, #tpu.memory_space<semaphore_mem>>)
    %dma_start3A_4 = tpu.memref_slice %arg4[%mul3A_0] : memref<100352xi32, #tpu.memory_space<hbm>> -> memref<6272xi32, #tpu.memory_space<hbm>>
    %dma_start3A_5 = tpu.memref_slice %arg4[%mul3A_0] : memref<100352xi32, #tpu.memory_space<hbm>> -> memref<6272xi32, #tpu.memory_space<hbm>>
    tpu.enqueue_dma source(%dma_start3A_5 : memref<6272xi32, #tpu.memory_space<hbm>>) target(%arg8 : memref<6272xi32, #tpu.memory_space<vmem>>) target_semaphore(%arg16 : memref<!tpu.dma_semaphore, #tpu.memory_space<semaphore_mem>>)
    %dma_wait3A = tpu.memref_slice %arg2[%mul3A_0] : memref<100352xf32, #tpu.memory_space<hbm>> -> memref<6272xf32, #tpu.memory_space<hbm>>
    %dma_wait3A_6 = tpu.memref_slice %arg2[%mul3A_0] : memref<100352xf32, #tpu.memory_space<hbm>> -> memref<6272xf32, #tpu.memory_space<hbm>>
    tpu.wait_dma2 semaphore(%arg14 : memref<!tpu.dma_semaphore, #tpu.memory_space<semaphore_mem>>) src(%dma_wait3A_6 : memref<6272xf32, #tpu.memory_space<hbm>>) dst(%arg6 : memref<6272xf32, #tpu.memory_space<vmem>>)
    %dma_wait3A_7 = tpu.memref_slice %arg3[%mul3A_0] : memref<100352xf32, #tpu.memory_space<hbm>> -> memref<6272xf32, #tpu.memory_space<hbm>>
    %dma_wait3A_8 = tpu.memref_slice %arg3[%mul3A_0] : memref<100352xf32, #tpu.memory_space<hbm>> -> memref<6272xf32, #tpu.memory_space<hbm>>
    tpu.wait_dma2 semaphore(%arg15 : memref<!tpu.dma_semaphore, #tpu.memory_space<semaphore_mem>>) src(%dma_wait3A_8 : memref<6272xf32, #tpu.memory_space<hbm>>) dst(%arg7 : memref<6272xf32, #tpu.memory_space<vmem>>)
    %dma_wait3A_9 = tpu.memref_slice %arg4[%mul3A_0] : memref<100352xi32, #tpu.memory_space<hbm>> -> memref<6272xi32, #tpu.memory_space<hbm>>
    %dma_wait3A_10 = tpu.memref_slice %arg4[%mul3A_0] : memref<100352xi32, #tpu.memory_space<hbm>> -> memref<6272xi32, #tpu.memory_space<hbm>>
    tpu.wait_dma2 semaphore(%arg16 : memref<!tpu.dma_semaphore, #tpu.memory_space<semaphore_mem>>) src(%dma_wait3A_10 : memref<6272xi32, #tpu.memory_space<hbm>>) dst(%arg8 : memref<6272xi32, #tpu.memory_space<vmem>>)
    %broadcast_in_dim3A = arith.constant 0.000000e+00 : f32
    %broadcast_in_dim3A_11 = vector.broadcast %broadcast_in_dim3A : f32 to vector<16xf32>
    %iota3A = tpu.iota {dimensions = array<i32: 0>} : vector<16xi32>
    %lt3A = arith.constant 2 : i32
    %lt3A_12 = vector.broadcast %lt3A : i32 to vector<16xi32>
    %lt3A_13 = arith.cmpi slt, %iota3A, %lt3A_12 : vector<16xi32>
    %eq3A = arith.constant 1 : i32
    %eq3A_14 = vector.broadcast %eq3A : i32 to vector<16xi32>
    %eq3A_15 = arith.cmpi eq, %iota3A, %eq3A_14 : vector<16xi32>
    %jit3A = arith.constant 128 : i32
    %jit3A_16 = arith.constant 0 : i32
    %broadcast_in_dim3A_17 = vector.broadcast %jit3A : i32 to vector<16xi32>
    %broadcast_in_dim3A_18 = vector.broadcast %jit3A_16 : i32 to vector<16xi32>
    %select_n3A = arith.select %eq3A_15, %broadcast_in_dim3A_17, %broadcast_in_dim3A_18 : vector<16xi1>, vector<16xi32>
    %scan3A = arith.constant 0 : i32
    %scan3A_19 = arith.constant 16 : i32
    %scan3A_20 = arith.addi %scan3A, %scan3A_19 : i32
    %scan3A_21 = arith.constant 1 : i32
    scf.for %scan3A_46 = %scan3A to %scan3A_20 step %scan3A_21  : i32 {
      %mul3A_47 = arith.constant 1 : i32
      %mul3A_48 = arith.muli %scan3A_46, %mul3A_47 : i32
      %add3A_49 = arith.constant 0 : i32
      %add3A_50 = arith.addi %add3A_49, %mul3A_48 : i32
      %mul3A_51 = arith.constant 16 : i32
      %mul3A_52 = arith.muli %add3A_50, %mul3A_51 : i32
      %swap3A = arith.index_cast %mul3A_52 : i32 to index
      %swap3A_53 = tpu.vector_load %arg9[%swap3A] {strides = array<i32>} : memref<256xf32, #tpu.memory_space<vmem>>, vector<16xf32>,
      tpu.vector_store %arg9[%swap3A], %broadcast_in_dim3A_11 {strides = array<i32>} : memref<256xf32, #tpu.memory_space<vmem>>, vector<16xf32>,
    }
    %scan3A_22 = arith.constant 16 : i32
    %get3A = arith.constant 0 : index
    %get3A_23 = tpu.vector_load %arg8[%get3A] {strides = array<i32>} : memref<6272xi32, #tpu.memory_space<vmem>>, vector<16xi32>,
    %slice3A = vector.extract_strided_slice %get3A_23 {offsets = [0], sizes = [1], strides = [1]} : vector<16xi32> to vector<1xi32>
    %squeeze3A = vector.extract %slice3A[0] : i32 from vector<1xi32>
    %broadcast_in_dim3A_24 = arith.constant 0.000000e+00 : f32
    %broadcast_in_dim3A_25 = vector.broadcast %broadcast_in_dim3A_24 : f32 to vector<16xf32>
    %scan3A_26 = arith.constant 0.000000e+00 : f32
    %scan3A_27 = arith.constant 0 : i32
    %scan3A_28 = arith.constant 98 : i32
    %scan3A_29 = arith.addi %scan3A_27, %scan3A_28 : i32
    %scan3A_30 = arith.constant 1 : i32
    %scan3A_31:3 = scf.for %scan3A_46 = %scan3A_27 to %scan3A_29 step %scan3A_30 iter_args(%scan3A_47 = %squeeze3A, %scan3A_48 = %broadcast_in_dim3A_25, %scan3A_49 = %scan3A_26) -> (i32, vector<16xf32>, f32)  : i32 {
      %mul3A_50 = arith.constant 64 : i32
      %mul3A_51 = arith.muli %scan3A_46, %mul3A_50 : i32
      %get3A_52 = arith.index_cast %mul3A_51 : i32 to index
      %get3A_53 = tpu.vector_load %arg8[%get3A_52] {strides = array<i32>} : memref<6272xi32, #tpu.memory_space<vmem>>, vector<16xi32>,
      %slice3A_54 = vector.extract_strided_slice %get3A_53 {offsets = [0], sizes = [1], strides = [1]} : vector<16xi32> to vector<1xi32>
      %squeeze3A_55 = vector.extract %slice3A_54[0] : i32 from vector<1xi32>
      %add3A_56 = arith.constant 48 : i32
      %add3A_57 = arith.addi %mul3A_51, %add3A_56 : i32
      %get3A_58 = arith.index_cast %add3A_57 : i32 to index
      %get3A_59 = tpu.vector_load %arg8[%get3A_58] {strides = array<i32>} : memref<6272xi32, #tpu.memory_space<vmem>>, vector<16xi32>,
      %slice3A_60 = vector.extract_strided_slice %get3A_59 {offsets = [15], sizes = [1], strides = [1]} : vector<16xi32> to vector<1xi32>
      %squeeze3A_61 = vector.extract %slice3A_60[0] : i32 from vector<1xi32>
      %get3A_62 = arith.index_cast %mul3A_51 : i32 to index
      %get3A_63 = tpu.vector_load %arg6[%get3A_62] {strides = array<i32>} : memref<6272xf32, #tpu.memory_space<vmem>>, vector<16xf32>,
      %get3A_64 = arith.index_cast %mul3A_51 : i32 to index
      %get3A_65 = tpu.vector_load %arg7[%get3A_64] {strides = array<i32>} : memref<6272xf32, #tpu.memory_space<vmem>>, vector<16xf32>,
      %sub3A = arith.subf %get3A_63, %get3A_65 : vector<16xf32>
      %abs3A = math.absf %sub3A : vector<16xf32>
      %abs3A_66 = math.absf %get3A_65 : vector<16xf32>
      %add3A_67 = arith.constant 1.000000e-01 : f32
      %add3A_68 = vector.broadcast %add3A_67 : f32 to vector<16xf32>
      %add3A_69 = arith.addf %abs3A_66, %add3A_68 : vector<16xf32>
      %div3A = arith.divf %abs3A, %add3A_69 : vector<16xf32>
      %add3A_70 = arith.constant 16 : i32
      %add3A_71 = arith.addi %mul3A_51, %add3A_70 : i32
      %get3A_72 = arith.index_cast %add3A_71 : i32 to index
      %get3A_73 = tpu.vector_load %arg6[%get3A_72] {strides = array<i32>} : memref<6272xf32, #tpu.memory_space<vmem>>, vector<16xf32>,
      %get3A_74 = arith.index_cast %add3A_71 : i32 to index
      %get3A_75 = tpu.vector_load %arg7[%get3A_74] {strides = array<i32>} : memref<6272xf32, #tpu.memory_space<vmem>>, vector<16xf32>,
      %sub3A_76 = arith.subf %get3A_73, %get3A_75 : vector<16xf32>
      %abs3A_77 = math.absf %sub3A_76 : vector<16xf32>
      %abs3A_78 = math.absf %get3A_75 : vector<16xf32>
      %add3A_79 = arith.constant 1.000000e-01 : f32
      %add3A_80 = vector.broadcast %add3A_79 : f32 to vector<16xf32>
      %add3A_81 = arith.addf %abs3A_78, %add3A_80 : vector<16xf32>
      %div3A_82 = arith.divf %abs3A_77, %add3A_81 : vector<16xf32>
      %add3A_83 = arith.addf %div3A, %div3A_82 : vector<16xf32>
      %add3A_84 = arith.constant 32 : i32
      %add3A_85 = arith.addi %mul3A_51, %add3A_84 : i32
      %get3A_86 = arith.index_cast %add3A_85 : i32 to index
      %get3A_87 = tpu.vector_load %arg6[%get3A_86] {strides = array<i32>} : memref<6272xf32, #tpu.memory_space<vmem>>, vector<16xf32>,
      %get3A_88 = arith.index_cast %add3A_85 : i32 to index
      %get3A_89 = tpu.vector_load %arg7[%get3A_88] {strides = array<i32>} : memref<6272xf32, #tpu.memory_space<vmem>>, vector<16xf32>,
      %sub3A_90 = arith.subf %get3A_87, %get3A_89 : vector<16xf32>
      %abs3A_91 = math.absf %sub3A_90 : vector<16xf32>
      %abs3A_92 = math.absf %get3A_89 : vector<16xf32>
      %add3A_93 = arith.constant 1.000000e-01 : f32
      %add3A_94 = vector.broadcast %add3A_93 : f32 to vector<16xf32>
      %add3A_95 = arith.addf %abs3A_92, %add3A_94 : vector<16xf32>
      %div3A_96 = arith.divf %abs3A_91, %add3A_95 : vector<16xf32>
      %add3A_97 = arith.constant 48 : i32
      %add3A_98 = arith.addi %mul3A_51, %add3A_97 : i32
      %get3A_99 = arith.index_cast %add3A_98 : i32 to index
      %get3A_100 = tpu.vector_load %arg6[%get3A_99] {strides = array<i32>} : memref<6272xf32, #tpu.memory_space<vmem>>, vector<16xf32>,
      %get3A_101 = arith.index_cast %add3A_98 : i32 to index
      %get3A_102 = tpu.vector_load %arg7[%get3A_101] {strides = array<i32>} : memref<6272xf32, #tpu.memory_space<vmem>>, vector<16xf32>,
      %sub3A_103 = arith.subf %get3A_100, %get3A_102 : vector<16xf32>
      %abs3A_104 = math.absf %sub3A_103 : vector<16xf32>
      %abs3A_105 = math.absf %get3A_102 : vector<16xf32>
      %add3A_106 = arith.constant 1.000000e-01 : f32
      %add3A_107 = vector.broadcast %add3A_106 : f32 to vector<16xf32>
      %add3A_108 = arith.addf %abs3A_105, %add3A_107 : vector<16xf32>
      %div3A_109 = arith.divf %abs3A_104, %add3A_108 : vector<16xf32>
      %add3A_110 = arith.addf %div3A_96, %div3A_109 : vector<16xf32>
      %add3A_111 = arith.addf %add3A_83, %add3A_110 : vector<16xf32>
      %eq3A_112 = arith.cmpi eq, %squeeze3A_55, %squeeze3A_61 : i32
      %eq3A_113 = arith.cmpi eq, %squeeze3A_55, %scan3A_47 : i32
      %and3A = arith.andi %eq3A_112, %eq3A_113 : i1
      %convert_element_type3A_114 = arith.extui %and3A : i1 to i32
      %cond3A_115 = arith.constant 0 : i32
      %cond3A_116 = arith.constant 0 : i32
      %cond3A_117 = arith.cmpi ne, %convert_element_type3A_114, %cond3A_116 : i32
      %cond3A_118:3 = scf.if %cond3A_117 -> (i32, vector<16xf32>, f32) {
        %add3A_119 = arith.addf %scan3A_48, %add3A_111 : vector<16xf32>
        %add3A_120 = arith.constant 6.400000e+01 : f32
        %add3A_121 = arith.addf %scan3A_49, %add3A_120 : f32
        scf.yield %scan3A_47, %add3A_119, %add3A_121 : i32, vector<16xf32>, f32
      } else {
        %reduce_sum3A_119 = arith.constant true
        %reduce_sum3A_120 = vector.broadcast %reduce_sum3A_119 : i1 to vector<16xi1>
        %reduce_sum3A_121 = tpu.scan <sum>, %scan3A_48 masked %reduce_sum3A_120 : vector<16xf32>, vector<16xi1> -> vector<16xf32>
        %reduce_sum3A_122 = vector.extract %reduce_sum3A_121[15] : f32 from vector<16xf32>
        %broadcast_in_dim3A_123 = vector.broadcast %scan3A_47 : i32 to vector<16xi32>
        %add3A_124 = arith.addi %broadcast_in_dim3A_123, %select_n3A : vector<16xi32>
        %eq3A_125 = arith.constant 0 : i32
        %eq3A_126 = vector.broadcast %eq3A_125 : i32 to vector<16xi32>
        %eq3A_127 = arith.cmpi eq, %iota3A, %eq3A_126 : vector<16xi32>
        %broadcast_in_dim3A_128 = vector.broadcast %reduce_sum3A_122 : f32 to vector<16xf32>
        %broadcast_in_dim3A_129 = vector.broadcast %scan3A_49 : f32 to vector<16xf32>
        %select_n3A_130 = arith.select %eq3A_127, %broadcast_in_dim3A_128, %broadcast_in_dim3A_129 : vector<16xi1>, vector<16xf32>
        tpu.vector_store_idx %arg9[%add3A_124], %select_n3A_130 masked %lt3A_13 {add = true} : memref<256xf32, #tpu.memory_space<vmem>>[vector<16xi32>], vector<16xf32>, vector<16xi1>
        %convert_element_type3A_131 = arith.extui %eq3A_112 : i1 to i32
        %cond3A_132 = arith.constant 0 : i32
        %cond3A_133 = arith.constant 0 : i32
        %cond3A_134 = arith.cmpi ne, %convert_element_type3A_131, %cond3A_133 : i32
        %cond3A_135:3 = scf.if %cond3A_134 -> (i32, vector<16xf32>, f32) {
          %cond3A_136 = arith.constant 6.400000e+01 : f32
          scf.yield %squeeze3A_55, %add3A_111, %cond3A_136 : i32, vector<16xf32>, f32
        } else {
          %add3A_136 = arith.constant 0 : i32
          %add3A_137 = arith.addi %mul3A_51, %add3A_136 : i32
          %get3A_138 = arith.index_cast %add3A_137 : i32 to index
          %get3A_139 = tpu.vector_load %arg8[%get3A_138] {strides = array<i32>} : memref<6272xi32, #tpu.memory_space<vmem>>, vector<16xi32>,
          %get3A_140 = arith.index_cast %add3A_137 : i32 to index
          %get3A_141 = tpu.vector_load %arg6[%get3A_140] {strides = array<i32>} : memref<6272xf32, #tpu.memory_space<vmem>>, vector<16xf32>,
          %get3A_142 = arith.index_cast %add3A_137 : i32 to index
          %get3A_143 = tpu.vector_load %arg7[%get3A_142] {strides = array<i32>} : memref<6272xf32, #tpu.memory_space<vmem>>, vector<16xf32>,
          %sub3A_144 = arith.subf %get3A_141, %get3A_143 : vector<16xf32>
          %abs3A_145 = math.absf %sub3A_144 : vector<16xf32>
          %abs3A_146 = math.absf %get3A_143 : vector<16xf32>
          %add3A_147 = arith.constant 1.000000e-01 : f32
          %add3A_148 = vector.broadcast %add3A_147 : f32 to vector<16xf32>
          %add3A_149 = arith.addf %abs3A_146, %add3A_148 : vector<16xf32>
          %div3A_150 = arith.divf %abs3A_145, %add3A_149 : vector<16xf32>
          %slice3A_151 = vector.extract_strided_slice %get3A_139 {offsets = [0], sizes = [1], strides = [1]} : vector<16xi32> to vector<1xi32>
          %squeeze3A_152 = vector.extract %slice3A_151[0] : i32 from vector<1xi32>
          %slice3A_153 = vector.extract_strided_slice %get3A_139 {offsets = [15], sizes = [1], strides = [1]} : vector<16xi32> to vector<1xi32>
          %squeeze3A_154 = vector.extract %slice3A_153[0] : i32 from vector<1xi32>
          %add3A_155 = arith.constant 1 : i32
          %add3A_156 = arith.addi %squeeze3A_154, %add3A_155 : i32
          %while3A = arith.constant 0 : i32
          %while3A_157 = arith.subi %add3A_156, %squeeze3A_152 : i32
          %while3A_158 = arith.addi %squeeze3A_152, %while3A_157 : i32
          %while3A_159 = arith.constant 1 : i32
          %while3A_160 = arith.divsi %while3A_157, %while3A_159 : i32
          %while3A_161 = arith.muli %while3A_160, %while3A_159 : i32
          %while3A_162 = arith.addi %squeeze3A_152, %while3A_161 : i32
          %while3A_163 = arith.constant 1 : i32
          scf.for %while3A_258 = %squeeze3A_152 to %while3A_162 step %while3A_163  : i32 {
            %eq3A_259 = vector.broadcast %while3A_258 : i32 to vector<16xi32>
            %eq3A_260 = arith.cmpi eq, %get3A_139, %eq3A_259 : vector<16xi32>
            %jit3A_261 = arith.constant 0.000000e+00 : f32
            %broadcast_in_dim3A_262 = vector.broadcast %jit3A_261 : f32 to vector<16xf32>
            %select_n3A_263 = arith.select %eq3A_260, %div3A_150, %broadcast_in_dim3A_262 : vector<16xi1>, vector<16xf32>
            %reduce_sum3A_264 = arith.constant true
            %reduce_sum3A_265 = vector.broadcast %reduce_sum3A_264 : i1 to vector<16xi1>
            %reduce_sum3A_266 = tpu.scan <sum>, %select_n3A_263 masked %reduce_sum3A_265 : vector<16xf32>, vector<16xi1> -> vector<16xf32>
            %reduce_sum3A_267 = vector.extract %reduce_sum3A_266[15] : f32 from vector<16xf32>
            %jit3A_268 = arith.constant 1.000000e+00 : f32
            %jit3A_269 = arith.constant 0.000000e+00 : f32
            %broadcast_in_dim3A_270 = vector.broadcast %jit3A_268 : f32 to vector<16xf32>
            %broadcast_in_dim3A_271 = vector.broadcast %jit3A_269 : f32 to vector<16xf32>
            %select_n3A_272 = arith.select %eq3A_260, %broadcast_in_dim3A_270, %broadcast_in_dim3A_271 : vector<16xi1>, vector<16xf32>
            %reduce_sum3A_273 = arith.constant true
            %reduce_sum3A_274 = vector.broadcast %reduce_sum3A_273 : i1 to vector<16xi1>
            %reduce_sum3A_275 = tpu.scan <sum>, %select_n3A_272 masked %reduce_sum3A_274 : vector<16xf32>, vector<16xi1> -> vector<16xf32>
            %reduce_sum3A_276 = vector.extract %reduce_sum3A_275[15] : f32 from vector<16xf32>
            %broadcast_in_dim3A_277 = vector.broadcast %while3A_258 : i32 to vector<16xi32>
            %add3A_278 = arith.addi %broadcast_in_dim3A_277, %select_n3A : vector<16xi32>
            %eq3A_279 = arith.constant 0 : i32
            %eq3A_280 = vector.broadcast %eq3A_279 : i32 to vector<16xi32>
            %eq3A_281 = arith.cmpi eq, %iota3A, %eq3A_280 : vector<16xi32>
            %broadcast_in_dim3A_282 = vector.broadcast %reduce_sum3A_267 : f32 to vector<16xf32>
            %broadcast_in_dim3A_283 = vector.broadcast %reduce_sum3A_276 : f32 to vector<16xf32>
            %select_n3A_284 = arith.select %eq3A_281, %broadcast_in_dim3A_282, %broadcast_in_dim3A_283 : vector<16xi1>, vector<16xf32>
            tpu.vector_store_idx %arg9[%add3A_278], %select_n3A_284 masked %lt3A_13 {add = true} : memref<256xf32, #tpu.memory_space<vmem>>[vector<16xi32>], vector<16xf32>, vector<16xi1>
          }
          %while3A_164 = arith.constant 1 : i32
          scf.for %while3A_258 = %while3A_162 to %while3A_158 step %while3A_164  : i32 {
            %eq3A_259 = vector.broadcast %while3A_258 : i32 to vector<16xi32>
            %eq3A_260 = arith.cmpi eq, %get3A_139, %eq3A_259 : vector<16xi32>
            %jit3A_261 = arith.constant 0.000000e+00 : f32
            %broadcast_in_dim3A_262 = vector.broadcast %jit3A_261 : f32 to vector<16xf32>
            %select_n3A_263 = arith.select %eq3A_260, %div3A_150, %broadcast_in_dim3A_262 : vector<16xi1>, vector<16xf32>
            %reduce_sum3A_264 = arith.constant true
            %reduce_sum3A_265 = vector.broadcast %reduce_sum3A_264 : i1 to vector<16xi1>
            %reduce_sum3A_266 = tpu.scan <sum>, %select_n3A_263 masked %reduce_sum3A_265 : vector<16xf32>, vector<16xi1> -> vector<16xf32>
            %reduce_sum3A_267 = vector.extract %reduce_sum3A_266[15] : f32 from vector<16xf32>
            %jit3A_268 = arith.constant 1.000000e+00 : f32
            %jit3A_269 = arith.constant 0.000000e+00 : f32
            %broadcast_in_dim3A_270 = vector.broadcast %jit3A_268 : f32 to vector<16xf32>
            %broadcast_in_dim3A_271 = vector.broadcast %jit3A_269 : f32 to vector<16xf32>
            %select_n3A_272 = arith.select %eq3A_260, %broadcast_in_dim3A_270, %broadcast_in_dim3A_271 : vector<16xi1>, vector<16xf32>
            %reduce_sum3A_273 = arith.constant true
            %reduce_sum3A_274 = vector.broadcast %reduce_sum3A_273 : i1 to vector<16xi1>
            %reduce_sum3A_275 = tpu.scan <sum>, %select_n3A_272 masked %reduce_sum3A_274 : vector<16xf32>, vector<16xi1> -> vector<16xf32>
            %reduce_sum3A_276 = vector.extract %reduce_sum3A_275[15] : f32 from vector<16xf32>
            %broadcast_in_dim3A_277 = vector.broadcast %while3A_258 : i32 to vector<16xi32>
            %add3A_278 = arith.addi %broadcast_in_dim3A_277, %select_n3A : vector<16xi32>
            %eq3A_279 = arith.constant 0 : i32
            %eq3A_280 = vector.broadcast %eq3A_279 : i32 to vector<16xi32>
            %eq3A_281 = arith.cmpi eq, %iota3A, %eq3A_280 : vector<16xi32>
            %broadcast_in_dim3A_282 = vector.broadcast %reduce_sum3A_267 : f32 to vector<16xf32>
            %broadcast_in_dim3A_283 = vector.broadcast %reduce_sum3A_276 : f32 to vector<16xf32>
            %select_n3A_284 = arith.select %eq3A_281, %broadcast_in_dim3A_282, %broadcast_in_dim3A_283 : vector<16xi1>, vector<16xf32>
            tpu.vector_store_idx %arg9[%add3A_278], %select_n3A_284 masked %lt3A_13 {add = true} : memref<256xf32, #tpu.memory_space<vmem>>[vector<16xi32>], vector<16xf32>, vector<16xi1>
          }
          %add3A_165 = arith.constant 16 : i32
          %add3A_166 = arith.addi %mul3A_51, %add3A_165 : i32
          %get3A_167 = arith.index_cast %add3A_166 : i32 to index
          %get3A_168 = tpu.vector_load %arg8[%get3A_167] {strides = array<i32>} : memref<6272xi32, #tpu.memory_space<vmem>>, vector<16xi32>,
          %get3A_169 = arith.index_cast %add3A_166 : i32 to index
          %get3A_170 = tpu.vector_load %arg6[%get3A_169] {strides = array<i32>} : memref<6272xf32, #tpu.memory_space<vmem>>, vector<16xf32>,
          %get3A_171 = arith.index_cast %add3A_166 : i32 to index
          %get3A_172 = tpu.vector_load %arg7[%get3A_171] {strides = array<i32>} : memref<6272xf32, #tpu.memory_space<vmem>>, vector<16xf32>,
          %sub3A_173 = arith.subf %get3A_170, %get3A_172 : vector<16xf32>
          %abs3A_174 = math.absf %sub3A_173 : vector<16xf32>
          %abs3A_175 = math.absf %get3A_172 : vector<16xf32>
          %add3A_176 = arith.constant 1.000000e-01 : f32
          %add3A_177 = vector.broadcast %add3A_176 : f32 to vector<16xf32>
          %add3A_178 = arith.addf %abs3A_175, %add3A_177 : vector<16xf32>
          %div3A_179 = arith.divf %abs3A_174, %add3A_178 : vector<16xf32>
          %slice3A_180 = vector.extract_strided_slice %get3A_168 {offsets = [0], sizes = [1], strides = [1]} : vector<16xi32> to vector<1xi32>
          %squeeze3A_181 = vector.extract %slice3A_180[0] : i32 from vector<1xi32>
          %slice3A_182 = vector.extract_strided_slice %get3A_168 {offsets = [15], sizes = [1], strides = [1]} : vector<16xi32> to vector<1xi32>
          %squeeze3A_183 = vector.extract %slice3A_182[0] : i32 from vector<1xi32>
          %add3A_184 = arith.constant 1 : i32
          %add3A_185 = arith.addi %squeeze3A_183, %add3A_184 : i32
          %while3A_186 = arith.constant 0 : i32
          %while3A_187 = arith.subi %add3A_185, %squeeze3A_181 : i32
          %while3A_188 = arith.addi %squeeze3A_181, %while3A_187 : i32
          %while3A_189 = arith.constant 1 : i32
          %while3A_190 = arith.divsi %while3A_187, %while3A_189 : i32
          %while3A_191 = arith.muli %while3A_190, %while3A_189 : i32
          %while3A_192 = arith.addi %squeeze3A_181, %while3A_191 : i32
          %while3A_193 = arith.constant 1 : i32
          scf.for %while3A_258 = %squeeze3A_181 to %while3A_192 step %while3A_193  : i32 {
            %eq3A_259 = vector.broadcast %while3A_258 : i32 to vector<16xi32>
            %eq3A_260 = arith.cmpi eq, %get3A_168, %eq3A_259 : vector<16xi32>
            %jit3A_261 = arith.constant 0.000000e+00 : f32
            %broadcast_in_dim3A_262 = vector.broadcast %jit3A_261 : f32 to vector<16xf32>
            %select_n3A_263 = arith.select %eq3A_260, %div3A_179, %broadcast_in_dim3A_262 : vector<16xi1>, vector<16xf32>
            %reduce_sum3A_264 = arith.constant true
            %reduce_sum3A_265 = vector.broadcast %reduce_sum3A_264 : i1 to vector<16xi1>
            %reduce_sum3A_266 = tpu.scan <sum>, %select_n3A_263 masked %reduce_sum3A_265 : vector<16xf32>, vector<16xi1> -> vector<16xf32>
            %reduce_sum3A_267 = vector.extract %reduce_sum3A_266[15] : f32 from vector<16xf32>
            %jit3A_268 = arith.constant 1.000000e+00 : f32
            %jit3A_269 = arith.constant 0.000000e+00 : f32
            %broadcast_in_dim3A_270 = vector.broadcast %jit3A_268 : f32 to vector<16xf32>
            %broadcast_in_dim3A_271 = vector.broadcast %jit3A_269 : f32 to vector<16xf32>
            %select_n3A_272 = arith.select %eq3A_260, %broadcast_in_dim3A_270, %broadcast_in_dim3A_271 : vector<16xi1>, vector<16xf32>
            %reduce_sum3A_273 = arith.constant true
            %reduce_sum3A_274 = vector.broadcast %reduce_sum3A_273 : i1 to vector<16xi1>
            %reduce_sum3A_275 = tpu.scan <sum>, %select_n3A_272 masked %reduce_sum3A_274 : vector<16xf32>, vector<16xi1> -> vector<16xf32>
            %reduce_sum3A_276 = vector.extract %reduce_sum3A_275[15] : f32 from vector<16xf32>
            %broadcast_in_dim3A_277 = vector.broadcast %while3A_258 : i32 to vector<16xi32>
            %add3A_278 = arith.addi %broadcast_in_dim3A_277, %select_n3A : vector<16xi32>
            %eq3A_279 = arith.constant 0 : i32
            %eq3A_280 = vector.broadcast %eq3A_279 : i32 to vector<16xi32>
            %eq3A_281 = arith.cmpi eq, %iota3A, %eq3A_280 : vector<16xi32>
            %broadcast_in_dim3A_282 = vector.broadcast %reduce_sum3A_267 : f32 to vector<16xf32>
            %broadcast_in_dim3A_283 = vector.broadcast %reduce_sum3A_276 : f32 to vector<16xf32>
            %select_n3A_284 = arith.select %eq3A_281, %broadcast_in_dim3A_282, %broadcast_in_dim3A_283 : vector<16xi1>, vector<16xf32>
            tpu.vector_store_idx %arg9[%add3A_278], %select_n3A_284 masked %lt3A_13 {add = true} : memref<256xf32, #tpu.memory_space<vmem>>[vector<16xi32>], vector<16xf32>, vector<16xi1>
          }
          %while3A_194 = arith.constant 1 : i32
          scf.for %while3A_258 = %while3A_192 to %while3A_188 step %while3A_194  : i32 {
            %eq3A_259 = vector.broadcast %while3A_258 : i32 to vector<16xi32>
            %eq3A_260 = arith.cmpi eq, %get3A_168, %eq3A_259 : vector<16xi32>
            %jit3A_261 = arith.constant 0.000000e+00 : f32
            %broadcast_in_dim3A_262 = vector.broadcast %jit3A_261 : f32 to vector<16xf32>
            %select_n3A_263 = arith.select %eq3A_260, %div3A_179, %broadcast_in_dim3A_262 : vector<16xi1>, vector<16xf32>
            %reduce_sum3A_264 = arith.constant true
            %reduce_sum3A_265 = vector.broadcast %reduce_sum3A_264 : i1 to vector<16xi1>
            %reduce_sum3A_266 = tpu.scan <sum>, %select_n3A_263 masked %reduce_sum3A_265 : vector<16xf32>, vector<16xi1> -> vector<16xf32>
            %reduce_sum3A_267 = vector.extract %reduce_sum3A_266[15] : f32 from vector<16xf32>
            %jit3A_268 = arith.constant 1.000000e+00 : f32
            %jit3A_269 = arith.constant 0.000000e+00 : f32
            %broadcast_in_dim3A_270 = vector.broadcast %jit3A_268 : f32 to vector<16xf32>
            %broadcast_in_dim3A_271 = vector.broadcast %jit3A_269 : f32 to vector<16xf32>
            %select_n3A_272 = arith.select %eq3A_260, %broadcast_in_dim3A_270, %broadcast_in_dim3A_271 : vector<16xi1>, vector<16xf32>
            %reduce_sum3A_273 = arith.constant true
            %reduce_sum3A_274 = vector.broadcast %reduce_sum3A_273 : i1 to vector<16xi1>
            %reduce_sum3A_275 = tpu.scan <sum>, %select_n3A_272 masked %reduce_sum3A_274 : vector<16xf32>, vector<16xi1> -> vector<16xf32>
            %reduce_sum3A_276 = vector.extract %reduce_sum3A_275[15] : f32 from vector<16xf32>
            %broadcast_in_dim3A_277 = vector.broadcast %while3A_258 : i32 to vector<16xi32>
            %add3A_278 = arith.addi %broadcast_in_dim3A_277, %select_n3A : vector<16xi32>
            %eq3A_279 = arith.constant 0 : i32
            %eq3A_280 = vector.broadcast %eq3A_279 : i32 to vector<16xi32>
            %eq3A_281 = arith.cmpi eq, %iota3A, %eq3A_280 : vector<16xi32>
            %broadcast_in_dim3A_282 = vector.broadcast %reduce_sum3A_267 : f32 to vector<16xf32>
            %broadcast_in_dim3A_283 = vector.broadcast %reduce_sum3A_276 : f32 to vector<16xf32>
            %select_n3A_284 = arith.select %eq3A_281, %broadcast_in_dim3A_282, %broadcast_in_dim3A_283 : vector<16xi1>, vector<16xf32>
            tpu.vector_store_idx %arg9[%add3A_278], %select_n3A_284 masked %lt3A_13 {add = true} : memref<256xf32, #tpu.memory_space<vmem>>[vector<16xi32>], vector<16xf32>, vector<16xi1>
          }
          %add3A_195 = arith.constant 32 : i32
          %add3A_196 = arith.addi %mul3A_51, %add3A_195 : i32
          %get3A_197 = arith.index_cast %add3A_196 : i32 to index
          %get3A_198 = tpu.vector_load %arg8[%get3A_197] {strides = array<i32>} : memref<6272xi32, #tpu.memory_space<vmem>>, vector<16xi32>,
          %get3A_199 = arith.index_cast %add3A_196 : i32 to index
          %get3A_200 = tpu.vector_load %arg6[%get3A_199] {strides = array<i32>} : memref<6272xf32, #tpu.memory_space<vmem>>, vector<16xf32>,
          %get3A_201 = arith.index_cast %add3A_196 : i32 to index
          %get3A_202 = tpu.vector_load %arg7[%get3A_201] {strides = array<i32>} : memref<6272xf32, #tpu.memory_space<vmem>>, vector<16xf32>,
          %sub3A_203 = arith.subf %get3A_200, %get3A_202 : vector<16xf32>
          %abs3A_204 = math.absf %sub3A_203 : vector<16xf32>
          %abs3A_205 = math.absf %get3A_202 : vector<16xf32>
          %add3A_206 = arith.constant 1.000000e-01 : f32
          %add3A_207 = vector.broadcast %add3A_206 : f32 to vector<16xf32>
          %add3A_208 = arith.addf %abs3A_205, %add3A_207 : vector<16xf32>
          %div3A_209 = arith.divf %abs3A_204, %add3A_208 : vector<16xf32>
          %slice3A_210 = vector.extract_strided_slice %get3A_198 {offsets = [0], sizes = [1], strides = [1]} : vector<16xi32> to vector<1xi32>
          %squeeze3A_211 = vector.extract %slice3A_210[0] : i32 from vector<1xi32>
          %slice3A_212 = vector.extract_strided_slice %get3A_198 {offsets = [15], sizes = [1], strides = [1]} : vector<16xi32> to vector<1xi32>
          %squeeze3A_213 = vector.extract %slice3A_212[0] : i32 from vector<1xi32>
          %add3A_214 = arith.constant 1 : i32
          %add3A_215 = arith.addi %squeeze3A_213, %add3A_214 : i32
          %while3A_216 = arith.constant 0 : i32
          %while3A_217 = arith.subi %add3A_215, %squeeze3A_211 : i32
          %while3A_218 = arith.addi %squeeze3A_211, %while3A_217 : i32
          %while3A_219 = arith.constant 1 : i32
          %while3A_220 = arith.divsi %while3A_217, %while3A_219 : i32
          %while3A_221 = arith.muli %while3A_220, %while3A_219 : i32
          %while3A_222 = arith.addi %squeeze3A_211, %while3A_221 : i32
          %while3A_223 = arith.constant 1 : i32
          scf.for %while3A_258 = %squeeze3A_211 to %while3A_222 step %while3A_223  : i32 {
            %eq3A_259 = vector.broadcast %while3A_258 : i32 to vector<16xi32>
            %eq3A_260 = arith.cmpi eq, %get3A_198, %eq3A_259 : vector<16xi32>
            %jit3A_261 = arith.constant 0.000000e+00 : f32
            %broadcast_in_dim3A_262 = vector.broadcast %jit3A_261 : f32 to vector<16xf32>
            %select_n3A_263 = arith.select %eq3A_260, %div3A_209, %broadcast_in_dim3A_262 : vector<16xi1>, vector<16xf32>
            %reduce_sum3A_264 = arith.constant true
            %reduce_sum3A_265 = vector.broadcast %reduce_sum3A_264 : i1 to vector<16xi1>
            %reduce_sum3A_266 = tpu.scan <sum>, %select_n3A_263 masked %reduce_sum3A_265 : vector<16xf32>, vector<16xi1> -> vector<16xf32>
            %reduce_sum3A_267 = vector.extract %reduce_sum3A_266[15] : f32 from vector<16xf32>
            %jit3A_268 = arith.constant 1.000000e+00 : f32
            %jit3A_269 = arith.constant 0.000000e+00 : f32
            %broadcast_in_dim3A_270 = vector.broadcast %jit3A_268 : f32 to vector<16xf32>
            %broadcast_in_dim3A_271 = vector.broadcast %jit3A_269 : f32 to vector<16xf32>
            %select_n3A_272 = arith.select %eq3A_260, %broadcast_in_dim3A_270, %broadcast_in_dim3A_271 : vector<16xi1>, vector<16xf32>
            %reduce_sum3A_273 = arith.constant true
            %reduce_sum3A_274 = vector.broadcast %reduce_sum3A_273 : i1 to vector<16xi1>
            %reduce_sum3A_275 = tpu.scan <sum>, %select_n3A_272 masked %reduce_sum3A_274 : vector<16xf32>, vector<16xi1> -> vector<16xf32>
            %reduce_sum3A_276 = vector.extract %reduce_sum3A_275[15] : f32 from vector<16xf32>
            %broadcast_in_dim3A_277 = vector.broadcast %while3A_258 : i32 to vector<16xi32>
            %add3A_278 = arith.addi %broadcast_in_dim3A_277, %select_n3A : vector<16xi32>
            %eq3A_279 = arith.constant 0 : i32
            %eq3A_280 = vector.broadcast %eq3A_279 : i32 to vector<16xi32>
            %eq3A_281 = arith.cmpi eq, %iota3A, %eq3A_280 : vector<16xi32>
            %broadcast_in_dim3A_282 = vector.broadcast %reduce_sum3A_267 : f32 to vector<16xf32>
            %broadcast_in_dim3A_283 = vector.broadcast %reduce_sum3A_276 : f32 to vector<16xf32>
            %select_n3A_284 = arith.select %eq3A_281, %broadcast_in_dim3A_282, %broadcast_in_dim3A_283 : vector<16xi1>, vector<16xf32>
            tpu.vector_store_idx %arg9[%add3A_278], %select_n3A_284 masked %lt3A_13 {add = true} : memref<256xf32, #tpu.memory_space<vmem>>[vector<16xi32>], vector<16xf32>, vector<16xi1>
          }
          %while3A_224 = arith.constant 1 : i32
          scf.for %while3A_258 = %while3A_222 to %while3A_218 step %while3A_224  : i32 {
            %eq3A_259 = vector.broadcast %while3A_258 : i32 to vector<16xi32>
            %eq3A_260 = arith.cmpi eq, %get3A_198, %eq3A_259 : vector<16xi32>
            %jit3A_261 = arith.constant 0.000000e+00 : f32
            %broadcast_in_dim3A_262 = vector.broadcast %jit3A_261 : f32 to vector<16xf32>
            %select_n3A_263 = arith.select %eq3A_260, %div3A_209, %broadcast_in_dim3A_262 : vector<16xi1>, vector<16xf32>
            %reduce_sum3A_264 = arith.constant true
            %reduce_sum3A_265 = vector.broadcast %reduce_sum3A_264 : i1 to vector<16xi1>
            %reduce_sum3A_266 = tpu.scan <sum>, %select_n3A_263 masked %reduce_sum3A_265 : vector<16xf32>, vector<16xi1> -> vector<16xf32>
            %reduce_sum3A_267 = vector.extract %reduce_sum3A_266[15] : f32 from vector<16xf32>
            %jit3A_268 = arith.constant 1.000000e+00 : f32
            %jit3A_269 = arith.constant 0.000000e+00 : f32
            %broadcast_in_dim3A_270 = vector.broadcast %jit3A_268 : f32 to vector<16xf32>
            %broadcast_in_dim3A_271 = vector.broadcast %jit3A_269 : f32 to vector<16xf32>
            %select_n3A_272 = arith.select %eq3A_260, %broadcast_in_dim3A_270, %broadcast_in_dim3A_271 : vector<16xi1>, vector<16xf32>
            %reduce_sum3A_273 = arith.constant true
            %reduce_sum3A_274 = vector.broadcast %reduce_sum3A_273 : i1 to vector<16xi1>
            %reduce_sum3A_275 = tpu.scan <sum>, %select_n3A_272 masked %reduce_sum3A_274 : vector<16xf32>, vector<16xi1> -> vector<16xf32>
            %reduce_sum3A_276 = vector.extract %reduce_sum3A_275[15] : f32 from vector<16xf32>
            %broadcast_in_dim3A_277 = vector.broadcast %while3A_258 : i32 to vector<16xi32>
            %add3A_278 = arith.addi %broadcast_in_dim3A_277, %select_n3A : vector<16xi32>
            %eq3A_279 = arith.constant 0 : i32
            %eq3A_280 = vector.broadcast %eq3A_279 : i32 to vector<16xi32>
            %eq3A_281 = arith.cmpi eq, %iota3A, %eq3A_280 : vector<16xi32>
            %broadcast_in_dim3A_282 = vector.broadcast %reduce_sum3A_267 : f32 to vector<16xf32>
            %broadcast_in_dim3A_283 = vector.broadcast %reduce_sum3A_276 : f32 to vector<16xf32>
            %select_n3A_284 = arith.select %eq3A_281, %broadcast_in_dim3A_282, %broadcast_in_dim3A_283 : vector<16xi1>, vector<16xf32>
            tpu.vector_store_idx %arg9[%add3A_278], %select_n3A_284 masked %lt3A_13 {add = true} : memref<256xf32, #tpu.memory_space<vmem>>[vector<16xi32>], vector<16xf32>, vector<16xi1>
          }
          %add3A_225 = arith.constant 48 : i32
          %add3A_226 = arith.addi %mul3A_51, %add3A_225 : i32
          %get3A_227 = arith.index_cast %add3A_226 : i32 to index
          %get3A_228 = tpu.vector_load %arg8[%get3A_227] {strides = array<i32>} : memref<6272xi32, #tpu.memory_space<vmem>>, vector<16xi32>,
          %get3A_229 = arith.index_cast %add3A_226 : i32 to index
          %get3A_230 = tpu.vector_load %arg6[%get3A_229] {strides = array<i32>} : memref<6272xf32, #tpu.memory_space<vmem>>, vector<16xf32>,
          %get3A_231 = arith.index_cast %add3A_226 : i32 to index
          %get3A_232 = tpu.vector_load %arg7[%get3A_231] {strides = array<i32>} : memref<6272xf32, #tpu.memory_space<vmem>>, vector<16xf32>,
          %sub3A_233 = arith.subf %get3A_230, %get3A_232 : vector<16xf32>
          %abs3A_234 = math.absf %sub3A_233 : vector<16xf32>
          %abs3A_235 = math.absf %get3A_232 : vector<16xf32>
          %add3A_236 = arith.constant 1.000000e-01 : f32
          %add3A_237 = vector.broadcast %add3A_236 : f32 to vector<16xf32>
          %add3A_238 = arith.addf %abs3A_235, %add3A_237 : vector<16xf32>
          %div3A_239 = arith.divf %abs3A_234, %add3A_238 : vector<16xf32>
          %slice3A_240 = vector.extract_strided_slice %get3A_228 {offsets = [0], sizes = [1], strides = [1]} : vector<16xi32> to vector<1xi32>
          %squeeze3A_241 = vector.extract %slice3A_240[0] : i32 from vector<1xi32>
          %slice3A_242 = vector.extract_strided_slice %get3A_228 {offsets = [15], sizes = [1], strides = [1]} : vector<16xi32> to vector<1xi32>
          %squeeze3A_243 = vector.extract %slice3A_242[0] : i32 from vector<1xi32>
          %add3A_244 = arith.constant 1 : i32
          %add3A_245 = arith.addi %squeeze3A_243, %add3A_244 : i32
          %while3A_246 = arith.constant 0 : i32
          %while3A_247 = arith.subi %add3A_245, %squeeze3A_241 : i32
          %while3A_248 = arith.addi %squeeze3A_241, %while3A_247 : i32
          %while3A_249 = arith.constant 1 : i32
          %while3A_250 = arith.divsi %while3A_247, %while3A_249 : i32
          %while3A_251 = arith.muli %while3A_250, %while3A_249 : i32
          %while3A_252 = arith.addi %squeeze3A_241, %while3A_251 : i32
          %while3A_253 = arith.constant 1 : i32
          scf.for %while3A_258 = %squeeze3A_241 to %while3A_252 step %while3A_253  : i32 {
            %eq3A_259 = vector.broadcast %while3A_258 : i32 to vector<16xi32>
            %eq3A_260 = arith.cmpi eq, %get3A_228, %eq3A_259 : vector<16xi32>
            %jit3A_261 = arith.constant 0.000000e+00 : f32
            %broadcast_in_dim3A_262 = vector.broadcast %jit3A_261 : f32 to vector<16xf32>
            %select_n3A_263 = arith.select %eq3A_260, %div3A_239, %broadcast_in_dim3A_262 : vector<16xi1>, vector<16xf32>
            %reduce_sum3A_264 = arith.constant true
            %reduce_sum3A_265 = vector.broadcast %reduce_sum3A_264 : i1 to vector<16xi1>
            %reduce_sum3A_266 = tpu.scan <sum>, %select_n3A_263 masked %reduce_sum3A_265 : vector<16xf32>, vector<16xi1> -> vector<16xf32>
            %reduce_sum3A_267 = vector.extract %reduce_sum3A_266[15] : f32 from vector<16xf32>
            %jit3A_268 = arith.constant 1.000000e+00 : f32
            %jit3A_269 = arith.constant 0.000000e+00 : f32
            %broadcast_in_dim3A_270 = vector.broadcast %jit3A_268 : f32 to vector<16xf32>
            %broadcast_in_dim3A_271 = vector.broadcast %jit3A_269 : f32 to vector<16xf32>
            %select_n3A_272 = arith.select %eq3A_260, %broadcast_in_dim3A_270, %broadcast_in_dim3A_271 : vector<16xi1>, vector<16xf32>
            %reduce_sum3A_273 = arith.constant true
            %reduce_sum3A_274 = vector.broadcast %reduce_sum3A_273 : i1 to vector<16xi1>
            %reduce_sum3A_275 = tpu.scan <sum>, %select_n3A_272 masked %reduce_sum3A_274 : vector<16xf32>, vector<16xi1> -> vector<16xf32>
            %reduce_sum3A_276 = vector.extract %reduce_sum3A_275[15] : f32 from vector<16xf32>
            %broadcast_in_dim3A_277 = vector.broadcast %while3A_258 : i32 to vector<16xi32>
            %add3A_278 = arith.addi %broadcast_in_dim3A_277, %select_n3A : vector<16xi32>
            %eq3A_279 = arith.constant 0 : i32
            %eq3A_280 = vector.broadcast %eq3A_279 : i32 to vector<16xi32>
            %eq3A_281 = arith.cmpi eq, %iota3A, %eq3A_280 : vector<16xi32>
            %broadcast_in_dim3A_282 = vector.broadcast %reduce_sum3A_267 : f32 to vector<16xf32>
            %broadcast_in_dim3A_283 = vector.broadcast %reduce_sum3A_276 : f32 to vector<16xf32>
            %select_n3A_284 = arith.select %eq3A_281, %broadcast_in_dim3A_282, %broadcast_in_dim3A_283 : vector<16xi1>, vector<16xf32>
            tpu.vector_store_idx %arg9[%add3A_278], %select_n3A_284 masked %lt3A_13 {add = true} : memref<256xf32, #tpu.memory_space<vmem>>[vector<16xi32>], vector<16xf32>, vector<16xi1>
          }
          %while3A_254 = arith.constant 1 : i32
          scf.for %while3A_258 = %while3A_252 to %while3A_248 step %while3A_254  : i32 {
            %eq3A_259 = vector.broadcast %while3A_258 : i32 to vector<16xi32>
            %eq3A_260 = arith.cmpi eq, %get3A_228, %eq3A_259 : vector<16xi32>
            %jit3A_261 = arith.constant 0.000000e+00 : f32
            %broadcast_in_dim3A_262 = vector.broadcast %jit3A_261 : f32 to vector<16xf32>
            %select_n3A_263 = arith.select %eq3A_260, %div3A_239, %broadcast_in_dim3A_262 : vector<16xi1>, vector<16xf32>
            %reduce_sum3A_264 = arith.constant true
            %reduce_sum3A_265 = vector.broadcast %reduce_sum3A_264 : i1 to vector<16xi1>
            %reduce_sum3A_266 = tpu.scan <sum>, %select_n3A_263 masked %reduce_sum3A_265 : vector<16xf32>, vector<16xi1> -> vector<16xf32>
            %reduce_sum3A_267 = vector.extract %reduce_sum3A_266[15] : f32 from vector<16xf32>
            %jit3A_268 = arith.constant 1.000000e+00 : f32
            %jit3A_269 = arith.constant 0.000000e+00 : f32
            %broadcast_in_dim3A_270 = vector.broadcast %jit3A_268 : f32 to vector<16xf32>
            %broadcast_in_dim3A_271 = vector.broadcast %jit3A_269 : f32 to vector<16xf32>
            %select_n3A_272 = arith.select %eq3A_260, %broadcast_in_dim3A_270, %broadcast_in_dim3A_271 : vector<16xi1>, vector<16xf32>
            %reduce_sum3A_273 = arith.constant true
            %reduce_sum3A_274 = vector.broadcast %reduce_sum3A_273 : i1 to vector<16xi1>
            %reduce_sum3A_275 = tpu.scan <sum>, %select_n3A_272 masked %reduce_sum3A_274 : vector<16xf32>, vector<16xi1> -> vector<16xf32>
            %reduce_sum3A_276 = vector.extract %reduce_sum3A_275[15] : f32 from vector<16xf32>
            %broadcast_in_dim3A_277 = vector.broadcast %while3A_258 : i32 to vector<16xi32>
            %add3A_278 = arith.addi %broadcast_in_dim3A_277, %select_n3A : vector<16xi32>
            %eq3A_279 = arith.constant 0 : i32
            %eq3A_280 = vector.broadcast %eq3A_279 : i32 to vector<16xi32>
            %eq3A_281 = arith.cmpi eq, %iota3A, %eq3A_280 : vector<16xi32>
            %broadcast_in_dim3A_282 = vector.broadcast %reduce_sum3A_267 : f32 to vector<16xf32>
            %broadcast_in_dim3A_283 = vector.broadcast %reduce_sum3A_276 : f32 to vector<16xf32>
            %select_n3A_284 = arith.select %eq3A_281, %broadcast_in_dim3A_282, %broadcast_in_dim3A_283 : vector<16xi1>, vector<16xf32>
            tpu.vector_store_idx %arg9[%add3A_278], %select_n3A_284 masked %lt3A_13 {add = true} : memref<256xf32, #tpu.memory_space<vmem>>[vector<16xi32>], vector<16xf32>, vector<16xi1>
          }
          %broadcast_in_dim3A_255 = arith.constant 0.000000e+00 : f32
          %broadcast_in_dim3A_256 = vector.broadcast %broadcast_in_dim3A_255 : f32 to vector<16xf32>
          %cond3A_257 = arith.constant 0.000000e+00 : f32
          scf.yield %squeeze3A_61, %broadcast_in_dim3A_256, %cond3A_257 : i32, vector<16xf32>, f32
        }
        scf.yield %cond3A_135#0, %cond3A_135#1, %cond3A_135#2 : i32, vector<16xf32>, f32
      }
      scf.yield %cond3A_118#0, %cond3A_118#1, %cond3A_118#2 : i32, vector<16xf32>, f32
    }
    %scan3A_32 = arith.constant 98 : i32
    %reduce_sum3A = arith.constant true
    %reduce_sum3A_33 = vector.broadcast %reduce_sum3A : i1 to vector<16xi1>
    %reduce_sum3A_34 = tpu.scan <sum>, %scan3A_31#1 masked %reduce_sum3A_33 : vector<16xf32>, vector<16xi1> -> vector<16xf32>
    %reduce_sum3A_35 = vector.extract %reduce_sum3A_34[15] : f32 from vector<16xf32>
    %broadcast_in_dim3A_36 = vector.broadcast %scan3A_31#0 : i32 to vector<16xi32>
    %add3A = arith.addi %broadcast_in_dim3A_36, %select_n3A : vector<16xi32>
    %eq3A_37 = arith.constant 0 : i32
    %eq3A_38 = vector.broadcast %eq3A_37 : i32 to vector<16xi32>
    %eq3A_39 = arith.cmpi eq, %iota3A, %eq3A_38 : vector<16xi32>
    %broadcast_in_dim3A_40 = vector.broadcast %reduce_sum3A_35 : f32 to vector<16xf32>
    %broadcast_in_dim3A_41 = vector.broadcast %scan3A_31#2 : f32 to vector<16xf32>
    %select_n3A_42 = arith.select %eq3A_39, %broadcast_in_dim3A_40, %broadcast_in_dim3A_41 : vector<16xi1>, vector<16xf32>
    tpu.vector_store_idx %arg9[%add3A], %select_n3A_42 masked %lt3A_13 {add = true} : memref<256xf32, #tpu.memory_space<vmem>>[vector<16xi32>], vector<16xf32>, vector<16xi1>
    "tpu.region"() ({
      %run_scoped3A = tpu.sem_alloc : memref<!tpu.dma_semaphore, #tpu.memory_space<semaphore_mem>>
      %dma_start3A_46 = arith.constant 0 : i32
      %dma_start3A_47 = tpu.memref_slice %arg10[%arg1, %dma_start3A_46] : memref<16x256xf32, #tpu.memory_space<vmem_shared>> -> memref<1x256xf32, #tpu.memory_space<vmem_shared>>
      %dma_start3A_48 = tpu.memref_squeeze %dma_start3A_47 : memref<1x256xf32, #tpu.memory_space<vmem_shared>> -> memref<256xf32, #tpu.memory_space<vmem_shared>>
      %dma_start3A_49 = arith.constant 0 : i32
      %dma_start3A_50 = tpu.memref_slice %arg10[%arg1, %dma_start3A_49] : memref<16x256xf32, #tpu.memory_space<vmem_shared>> -> memref<1x256xf32, #tpu.memory_space<vmem_shared>>
      %dma_start3A_51 = tpu.memref_squeeze %dma_start3A_50 : memref<1x256xf32, #tpu.memory_space<vmem_shared>> -> memref<256xf32, #tpu.memory_space<vmem_shared>>
      tpu.enqueue_dma source(%arg9 : memref<256xf32, #tpu.memory_space<vmem>>) target(%dma_start3A_51 : memref<256xf32, #tpu.memory_space<vmem_shared>>) target_semaphore(%run_scoped3A : memref<!tpu.dma_semaphore, #tpu.memory_space<semaphore_mem>>)
      %dma_wait3A_52 = arith.constant 0 : i32
      %dma_wait3A_53 = tpu.memref_slice %arg10[%arg1, %dma_wait3A_52] : memref<16x256xf32, #tpu.memory_space<vmem_shared>> -> memref<1x256xf32, #tpu.memory_space<vmem_shared>>
      %dma_wait3A_54 = tpu.memref_squeeze %dma_wait3A_53 : memref<1x256xf32, #tpu.memory_space<vmem_shared>> -> memref<256xf32, #tpu.memory_space<vmem_shared>>
      %dma_wait3A_55 = arith.constant 0 : i32
      %dma_wait3A_56 = tpu.memref_slice %arg10[%arg1, %dma_wait3A_55] : memref<16x256xf32, #tpu.memory_space<vmem_shared>> -> memref<1x256xf32, #tpu.memory_space<vmem_shared>>
      %dma_wait3A_57 = tpu.memref_squeeze %dma_wait3A_56 : memref<1x256xf32, #tpu.memory_space<vmem_shared>> -> memref<256xf32, #tpu.memory_space<vmem_shared>>
      tpu.wait_dma2 semaphore(%run_scoped3A : memref<!tpu.dma_semaphore, #tpu.memory_space<semaphore_mem>>) src(%arg9 : memref<256xf32, #tpu.memory_space<vmem>>) dst(%dma_wait3A_57 : memref<256xf32, #tpu.memory_space<vmem_shared>>)
      tpu.yield
    }) : () -> ()
    %barrier3A = arith.constant 0 : index
    tpu.barrier barrier_id(%barrier3A)
    %eq3A_43 = arith.constant 0 : i32
    %eq3A_44 = arith.cmpi eq, %arg1, %eq3A_43 : i32
    %convert_element_type3A = arith.extui %eq3A_44 : i1 to i32
    %cond3A = arith.constant 0 : i32
    %cond3A_45 = arith.cmpi ne, %convert_element_type3A, %cond3A : i32
    scf.if %cond3A_45 {
      "tpu.region"() ({
        %run_scoped3A = tpu.sem_alloc : memref<!tpu.dma_semaphore, #tpu.memory_space<semaphore_mem>>
        tpu.enqueue_dma source(%arg10 : memref<16x256xf32, #tpu.memory_space<vmem_shared>>) target(%arg11 : memref<16x256xf32, #tpu.memory_space<vmem>>) target_semaphore(%run_scoped3A : memref<!tpu.dma_semaphore, #tpu.memory_space<semaphore_mem>>)
        tpu.wait_dma2 semaphore(%run_scoped3A : memref<!tpu.dma_semaphore, #tpu.memory_space<semaphore_mem>>) src(%arg10 : memref<16x256xf32, #tpu.memory_space<vmem_shared>>) dst(%arg11 : memref<16x256xf32, #tpu.memory_space<vmem>>)
        tpu.yield
      }) : () -> ()
      "tpu.region"() ({
        %run_scoped3A = tpu.sem_alloc : memref<!tpu.dma_semaphore, #tpu.memory_space<semaphore_mem>>
        %dma_start3A_169 = arith.constant 99984 : i32
        %dma_start3A_170 = tpu.memref_slice %arg4[%dma_start3A_169] : memref<100352xi32, #tpu.memory_space<hbm>> -> memref<16xi32, #tpu.memory_space<hbm>>
        %dma_start3A_171 = arith.constant 99984 : i32
        %dma_start3A_172 = tpu.memref_slice %arg4[%dma_start3A_171] : memref<100352xi32, #tpu.memory_space<hbm>> -> memref<16xi32, #tpu.memory_space<hbm>>
        tpu.enqueue_dma source(%dma_start3A_172 : memref<16xi32, #tpu.memory_space<hbm>>) target(%arg12 : memref<16xi32, #tpu.memory_space<vmem>>) target_semaphore(%run_scoped3A : memref<!tpu.dma_semaphore, #tpu.memory_space<semaphore_mem>>)
        %dma_wait3A_173 = arith.constant 99984 : i32
        %dma_wait3A_174 = tpu.memref_slice %arg4[%dma_wait3A_173] : memref<100352xi32, #tpu.memory_space<hbm>> -> memref<16xi32, #tpu.memory_space<hbm>>
        %dma_wait3A_175 = arith.constant 99984 : i32
        %dma_wait3A_176 = tpu.memref_slice %arg4[%dma_wait3A_175] : memref<100352xi32, #tpu.memory_space<hbm>> -> memref<16xi32, #tpu.memory_space<hbm>>
        tpu.wait_dma2 semaphore(%run_scoped3A : memref<!tpu.dma_semaphore, #tpu.memory_space<semaphore_mem>>) src(%dma_wait3A_176 : memref<16xi32, #tpu.memory_space<hbm>>) dst(%arg12 : memref<16xi32, #tpu.memory_space<vmem>>)
        tpu.yield
      }) : () -> ()
      %get3A_46 = arith.constant 0 : index
      %get3A_47 = tpu.vector_load %arg12[%get3A_46] {strides = array<i32>} : memref<16xi32, #tpu.memory_space<vmem>>, vector<16xi32>,
      %slice3A_48 = vector.extract_strided_slice %get3A_47 {offsets = [15], sizes = [1], strides = [1]} : vector<16xi32> to vector<1xi32>
      %squeeze3A_49 = vector.extract %slice3A_48[0] : i32 from vector<1xi32>
      %add3A_50 = arith.constant 1 : i32
      %add3A_51 = arith.addi %squeeze3A_49, %add3A_50 : i32
      %broadcast_in_dim3A_52 = arith.constant 0.000000e+00 : f32
      %broadcast_in_dim3A_53 = vector.broadcast %broadcast_in_dim3A_52 : f32 to vector<16xf32>
      %broadcast_in_dim3A_54 = arith.constant 0.000000e+00 : f32
      %broadcast_in_dim3A_55 = vector.broadcast %broadcast_in_dim3A_54 : f32 to vector<16xf32>
      %scan3A_56 = arith.constant 0 : i32
      %scan3A_57 = arith.constant 16 : i32
      %scan3A_58 = arith.addi %scan3A_56, %scan3A_57 : i32
      %scan3A_59 = arith.constant 1 : i32
      %scan3A_60 = scf.for %scan3A_169 = %scan3A_56 to %scan3A_58 step %scan3A_59 iter_args(%scan3A_170 = %broadcast_in_dim3A_55) -> (vector<16xf32>)  : i32 {
        %get3A_171 = arith.index_cast %scan3A_169 : i32 to index
        %get3A_172 = arith.constant 0 : index
        %get3A_173 = tpu.vector_load %arg11[%get3A_171, %get3A_172] {strides = array<i32>} : memref<16x256xf32, #tpu.memory_space<vmem>>, vector<16xf32>,
        %add3A_174 = arith.addf %scan3A_170, %get3A_173 : vector<16xf32>
        scf.yield %add3A_174 : vector<16xf32>
      }
      %scan3A_61 = arith.constant 16 : i32
      %broadcast_in_dim3A_62 = arith.constant 0.000000e+00 : f32
      %broadcast_in_dim3A_63 = vector.broadcast %broadcast_in_dim3A_62 : f32 to vector<16xf32>
      %scan3A_64 = arith.constant 0 : i32
      %scan3A_65 = arith.constant 16 : i32
      %scan3A_66 = arith.addi %scan3A_64, %scan3A_65 : i32
      %scan3A_67 = arith.constant 1 : i32
      %scan3A_68 = scf.for %scan3A_169 = %scan3A_64 to %scan3A_66 step %scan3A_67 iter_args(%scan3A_170 = %broadcast_in_dim3A_63) -> (vector<16xf32>)  : i32 {
        %get3A_171 = arith.index_cast %scan3A_169 : i32 to index
        %get3A_172 = arith.constant 128 : index
        %get3A_173 = tpu.vector_load %arg11[%get3A_171, %get3A_172] {strides = array<i32>} : memref<16x256xf32, #tpu.memory_space<vmem>>, vector<16xf32>,
        %add3A_174 = arith.addf %scan3A_170, %get3A_173 : vector<16xf32>
        scf.yield %add3A_174 : vector<16xf32>
      }
      %scan3A_69 = arith.constant 16 : i32
      %add3A_70 = arith.constant 0 : i32
      %add3A_71 = vector.broadcast %add3A_70 : i32 to vector<16xi32>
      %add3A_72 = arith.addi %iota3A, %add3A_71 : vector<16xi32>
      %lt3A_73 = vector.broadcast %add3A_51 : i32 to vector<16xi32>
      %lt3A_74 = arith.cmpi slt, %add3A_72, %lt3A_73 : vector<16xi32>
      %div3A = arith.divf %scan3A_60, %scan3A_68 : vector<16xf32>
      %jit3A_75 = arith.constant 0.000000e+00 : f32
      %broadcast_in_dim3A_76 = vector.broadcast %jit3A_75 : f32 to vector<16xf32>
      %select_n3A_77 = arith.select %lt3A_74, %div3A, %broadcast_in_dim3A_76 : vector<16xi1>, vector<16xf32>
      %add3A_78 = arith.addf %broadcast_in_dim3A_53, %select_n3A_77 : vector<16xf32>
      %broadcast_in_dim3A_79 = arith.constant 0.000000e+00 : f32
      %broadcast_in_dim3A_80 = vector.broadcast %broadcast_in_dim3A_79 : f32 to vector<16xf32>
      %scan3A_81 = arith.constant 0 : i32
      %scan3A_82 = arith.constant 16 : i32
      %scan3A_83 = arith.addi %scan3A_81, %scan3A_82 : i32
      %scan3A_84 = arith.constant 1 : i32
      %scan3A_85 = scf.for %scan3A_169 = %scan3A_81 to %scan3A_83 step %scan3A_84 iter_args(%scan3A_170 = %broadcast_in_dim3A_80) -> (vector<16xf32>)  : i32 {
        %get3A_171 = arith.index_cast %scan3A_169 : i32 to index
        %get3A_172 = arith.constant 16 : index
        %get3A_173 = tpu.vector_load %arg11[%get3A_171, %get3A_172] {strides = array<i32>} : memref<16x256xf32, #tpu.memory_space<vmem>>, vector<16xf32>,
        %add3A_174 = arith.addf %scan3A_170, %get3A_173 : vector<16xf32>
        scf.yield %add3A_174 : vector<16xf32>
      }
      %scan3A_86 = arith.constant 16 : i32
      %broadcast_in_dim3A_87 = arith.constant 0.000000e+00 : f32
      %broadcast_in_dim3A_88 = vector.broadcast %broadcast_in_dim3A_87 : f32 to vector<16xf32>
      %scan3A_89 = arith.constant 0 : i32
      %scan3A_90 = arith.constant 16 : i32
      %scan3A_91 = arith.addi %scan3A_89, %scan3A_90 : i32
      %scan3A_92 = arith.constant 1 : i32
      %scan3A_93 = scf.for %scan3A_169 = %scan3A_89 to %scan3A_91 step %scan3A_92 iter_args(%scan3A_170 = %broadcast_in_dim3A_88) -> (vector<16xf32>)  : i32 {
        %get3A_171 = arith.index_cast %scan3A_169 : i32 to index
        %get3A_172 = arith.constant 144 : index
        %get3A_173 = tpu.vector_load %arg11[%get3A_171, %get3A_172] {strides = array<i32>} : memref<16x256xf32, #tpu.memory_space<vmem>>, vector<16xf32>,
        %add3A_174 = arith.addf %scan3A_170, %get3A_173 : vector<16xf32>
        scf.yield %add3A_174 : vector<16xf32>
      }
      %scan3A_94 = arith.constant 16 : i32
      %add3A_95 = arith.constant 16 : i32
      %add3A_96 = vector.broadcast %add3A_95 : i32 to vector<16xi32>
      %add3A_97 = arith.addi %iota3A, %add3A_96 : vector<16xi32>
      %lt3A_98 = vector.broadcast %add3A_51 : i32 to vector<16xi32>
      %lt3A_99 = arith.cmpi slt, %add3A_97, %lt3A_98 : vector<16xi32>
      %div3A_100 = arith.divf %scan3A_85, %scan3A_93 : vector<16xf32>
      %jit3A_101 = arith.constant 0.000000e+00 : f32
      %broadcast_in_dim3A_102 = vector.broadcast %jit3A_101 : f32 to vector<16xf32>
      %select_n3A_103 = arith.select %lt3A_99, %div3A_100, %broadcast_in_dim3A_102 : vector<16xi1>, vector<16xf32>
      %add3A_104 = arith.addf %add3A_78, %select_n3A_103 : vector<16xf32>
      %broadcast_in_dim3A_105 = arith.constant 0.000000e+00 : f32
      %broadcast_in_dim3A_106 = vector.broadcast %broadcast_in_dim3A_105 : f32 to vector<16xf32>
      %scan3A_107 = arith.constant 0 : i32
      %scan3A_108 = arith.constant 16 : i32
      %scan3A_109 = arith.addi %scan3A_107, %scan3A_108 : i32
      %scan3A_110 = arith.constant 1 : i32
      %scan3A_111 = scf.for %scan3A_169 = %scan3A_107 to %scan3A_109 step %scan3A_110 iter_args(%scan3A_170 = %broadcast_in_dim3A_106) -> (vector<16xf32>)  : i32 {
        %get3A_171 = arith.index_cast %scan3A_169 : i32 to index
        %get3A_172 = arith.constant 32 : index
        %get3A_173 = tpu.vector_load %arg11[%get3A_171, %get3A_172] {strides = array<i32>} : memref<16x256xf32, #tpu.memory_space<vmem>>, vector<16xf32>,
        %add3A_174 = arith.addf %scan3A_170, %get3A_173 : vector<16xf32>
        scf.yield %add3A_174 : vector<16xf32>
      }
      %scan3A_112 = arith.constant 16 : i32
      %broadcast_in_dim3A_113 = arith.constant 0.000000e+00 : f32
      %broadcast_in_dim3A_114 = vector.broadcast %broadcast_in_dim3A_113 : f32 to vector<16xf32>
      %scan3A_115 = arith.constant 0 : i32
      %scan3A_116 = arith.constant 16 : i32
      %scan3A_117 = arith.addi %scan3A_115, %scan3A_116 : i32
      %scan3A_118 = arith.constant 1 : i32
      %scan3A_119 = scf.for %scan3A_169 = %scan3A_115 to %scan3A_117 step %scan3A_118 iter_args(%scan3A_170 = %broadcast_in_dim3A_114) -> (vector<16xf32>)  : i32 {
        %get3A_171 = arith.index_cast %scan3A_169 : i32 to index
        %get3A_172 = arith.constant 160 : index
        %get3A_173 = tpu.vector_load %arg11[%get3A_171, %get3A_172] {strides = array<i32>} : memref<16x256xf32, #tpu.memory_space<vmem>>, vector<16xf32>,
        %add3A_174 = arith.addf %scan3A_170, %get3A_173 : vector<16xf32>
        scf.yield %add3A_174 : vector<16xf32>
      }
      %scan3A_120 = arith.constant 16 : i32
      %add3A_121 = arith.constant 32 : i32
      %add3A_122 = vector.broadcast %add3A_121 : i32 to vector<16xi32>
      %add3A_123 = arith.addi %iota3A, %add3A_122 : vector<16xi32>
      %lt3A_124 = vector.broadcast %add3A_51 : i32 to vector<16xi32>
      %lt3A_125 = arith.cmpi slt, %add3A_123, %lt3A_124 : vector<16xi32>
      %div3A_126 = arith.divf %scan3A_111, %scan3A_119 : vector<16xf32>
      %jit3A_127 = arith.constant 0.000000e+00 : f32
      %broadcast_in_dim3A_128 = vector.broadcast %jit3A_127 : f32 to vector<16xf32>
      %select_n3A_129 = arith.select %lt3A_125, %div3A_126, %broadcast_in_dim3A_128 : vector<16xi1>, vector<16xf32>
      %add3A_130 = arith.addf %add3A_104, %select_n3A_129 : vector<16xf32>
      %broadcast_in_dim3A_131 = arith.constant 0.000000e+00 : f32
      %broadcast_in_dim3A_132 = vector.broadcast %broadcast_in_dim3A_131 : f32 to vector<16xf32>
      %scan3A_133 = arith.constant 0 : i32
      %scan3A_134 = arith.constant 16 : i32
      %scan3A_135 = arith.addi %scan3A_133, %scan3A_134 : i32
      %scan3A_136 = arith.constant 1 : i32
      %scan3A_137 = scf.for %scan3A_169 = %scan3A_133 to %scan3A_135 step %scan3A_136 iter_args(%scan3A_170 = %broadcast_in_dim3A_132) -> (vector<16xf32>)  : i32 {
        %get3A_171 = arith.index_cast %scan3A_169 : i32 to index
        %get3A_172 = arith.constant 48 : index
        %get3A_173 = tpu.vector_load %arg11[%get3A_171, %get3A_172] {strides = array<i32>} : memref<16x256xf32, #tpu.memory_space<vmem>>, vector<16xf32>,
        %add3A_174 = arith.addf %scan3A_170, %get3A_173 : vector<16xf32>
        scf.yield %add3A_174 : vector<16xf32>
      }
      %scan3A_138 = arith.constant 16 : i32
      %broadcast_in_dim3A_139 = arith.constant 0.000000e+00 : f32
      %broadcast_in_dim3A_140 = vector.broadcast %broadcast_in_dim3A_139 : f32 to vector<16xf32>
      %scan3A_141 = arith.constant 0 : i32
      %scan3A_142 = arith.constant 16 : i32
      %scan3A_143 = arith.addi %scan3A_141, %scan3A_142 : i32
      %scan3A_144 = arith.constant 1 : i32
      %scan3A_145 = scf.for %scan3A_169 = %scan3A_141 to %scan3A_143 step %scan3A_144 iter_args(%scan3A_170 = %broadcast_in_dim3A_140) -> (vector<16xf32>)  : i32 {
        %get3A_171 = arith.index_cast %scan3A_169 : i32 to index
        %get3A_172 = arith.constant 176 : index
        %get3A_173 = tpu.vector_load %arg11[%get3A_171, %get3A_172] {strides = array<i32>} : memref<16x256xf32, #tpu.memory_space<vmem>>, vector<16xf32>,
        %add3A_174 = arith.addf %scan3A_170, %get3A_173 : vector<16xf32>
        scf.yield %add3A_174 : vector<16xf32>
      }
      %scan3A_146 = arith.constant 16 : i32
      %add3A_147 = arith.constant 48 : i32
      %add3A_148 = vector.broadcast %add3A_147 : i32 to vector<16xi32>
      %add3A_149 = arith.addi %iota3A, %add3A_148 : vector<16xi32>
      %lt3A_150 = vector.broadcast %add3A_51 : i32 to vector<16xi32>
      %lt3A_151 = arith.cmpi slt, %add3A_149, %lt3A_150 : vector<16xi32>
      %div3A_152 = arith.divf %scan3A_137, %scan3A_145 : vector<16xf32>
      %jit3A_153 = arith.constant 0.000000e+00 : f32
      %broadcast_in_dim3A_154 = vector.broadcast %jit3A_153 : f32 to vector<16xf32>
      %select_n3A_155 = arith.select %lt3A_151, %div3A_152, %broadcast_in_dim3A_154 : vector<16xi1>, vector<16xf32>
      %add3A_156 = arith.addf %add3A_130, %select_n3A_155 : vector<16xf32>
      %reduce_sum3A_157 = arith.constant true
      %reduce_sum3A_158 = vector.broadcast %reduce_sum3A_157 : i1 to vector<16xi1>
      %reduce_sum3A_159 = tpu.scan <sum>, %add3A_156 masked %reduce_sum3A_158 : vector<16xf32>, vector<16xi1> -> vector<16xf32>
      %reduce_sum3A_160 = vector.extract %reduce_sum3A_159[15] : f32 from vector<16xf32>
      %convert_element_type3A_161 = arith.sitofp %add3A_51 : i32 to f32
      %broadcast_in_dim3A_162 = vector.broadcast %reduce_sum3A_160 : f32 to vector<16xf32>
      %broadcast_in_dim3A_163 = vector.broadcast %convert_element_type3A_161 : f32 to vector<16xf32>
      %div3A_164 = arith.divf %broadcast_in_dim3A_162, %broadcast_in_dim3A_163 : vector<16xf32>
      %mul3A_165 = arith.constant 1.000000e+04 : f32
      %mul3A_166 = vector.broadcast %mul3A_165 : f32 to vector<16xf32>
      %mul3A_167 = arith.mulf %div3A_164, %mul3A_166 : vector<16xf32>
      %swap3A = arith.constant 0 : index
      %swap3A_168 = tpu.vector_load %arg13[%swap3A] {strides = array<i32>} : memref<16xf32, #tpu.memory_space<vmem>>, vector<16xf32>,
      tpu.vector_store %arg13[%swap3A], %mul3A_167 {strides = array<i32>} : memref<16xf32, #tpu.memory_space<vmem>>, vector<16xf32>,
      "tpu.region"() ({
        %run_scoped3A = tpu.sem_alloc : memref<!tpu.dma_semaphore, #tpu.memory_space<semaphore_mem>>
        tpu.enqueue_dma source(%arg13 : memref<16xf32, #tpu.memory_space<vmem>>) target(%arg5 : memref<16xf32, #tpu.memory_space<hbm>>) target_semaphore(%run_scoped3A : memref<!tpu.dma_semaphore, #tpu.memory_space<semaphore_mem>>)
        tpu.wait_dma2 semaphore(%run_scoped3A : memref<!tpu.dma_semaphore, #tpu.memory_space<semaphore_mem>>) src(%arg13 : memref<16xf32, #tpu.memory_space<vmem>>) dst(%arg5 : memref<16xf32, #tpu.memory_space<hbm>>)
        tpu.yield
      }) : () -> ()
    } else {
    }
    return
  }
}

</mosaic_0001>

<sc_bundles>
// kernel: kernel.3.cloned.1.call-start
scs
__scs_entry_jumppad:
0x0: {  	(pc) =	sbr.rel $0x88, $3  }
0x1: {  	(tag) =	ssettag $0x0;
	lr =	simm.s32 $0x1  }
0x2: {  	[smem:$0x3F9E] =	sst lr;
	_ =	strace $0xD0000000  }
0x3: {  	_ = 	snop  }
0x4: {  	_ = 	snop  }
0x5: {  	_ = 	snop  }
0x6: {  	_ = 	snop  }
0x7: {  	_ = 	snop  }
__scs_overlays_trampoline_lowered:
0x8: {  	[smem:$0x3FAD] =	sst s0  }
0x9: {  	[smem:$0x3FAE] =	sst s1  }
0xa: {  	[smem:$0x3FAF] =	sst s2  }
0xb: {  	[smem:$0x3FB0] =	sst s3  }
0xc: {  	[smem:$0x3FB1] =	sst s4  }
0xd: {  	[smem:$0x3FB2] =	sst s5  }
0xe: {  	[smem:$0x3FB3] =	sst s6  }
0xf: {  	[smem:$0x3FB4] =	sst s7  }
0x10: {  	[smem:$0x3FB5] =	sst s8  }
0x11: {  	[smem:$0x3FB6] =	sst s9;
	s0 =	simm.s32 @!p0 $0x0  }
0x12: {  	s1 =	sld [smem:$0x3F9C];
	s0 =	simm.s32 @p0 $0x1  }
0x13: {  	[smem:$0x3FB7] =	sst s0;
	s0 =	simm.s32 @!p1 $0x0  }
0x14: {  	s2 =	sld [smem:$0x3F9B];
	s0 =	simm.s32 @p1 $0x1  }
0x15: {  	[smem:$0x3FB8] =	sst s0;
	s0 =	simm.s32 @!p2 $0x0  }
0x16: {  	s3 =	sld [smem:$0x3FDB];
	s0 =	simm.s32 @p2 $0x1  }
0x17: {  	s4 =	simm.s32 $0x1BF5;
	[smem:$0x3FBA] =	sst s0  }
0x18: {  	s0 =	sld [smem:$0x3F9D];
	_ =	swait.ge [sflag:s4], $0x0  }
0x19: {  	s7 =	sld [smem:$0x3F9E]  }
0x1a: {  	s8 =	sadd.s32 $0xFFFFE003, lr  }
0x1b: {  	s9 =	sadd.s32 $0xFFFFFEF7, lr;
	s5 =	simm.s32 $0xFFFFFFFF;
	p2 =	slt.u32 s8, $0xFFFFF086  }
0x1c: {  	p1 =	slt.u32 s9, $0xF7A;
	s5 =	simm.s32 @!p2 $0x0  }
0x1d: {  	s5 =	simm.s32 @p1 $0x1;
	p0 =	seq.s32 s7, s2  }
0x1e: {  	s7 =	smul.u32 @!p0 $0xF7A, s2;
	p2 =	seq.s32 @!p0 s5, $0x0  }
0x1f: {  	s9 =	smul.u32 $0xF7A, s1;
	s8 =	simm.s32 @!p0 $0x1BF5;
	p2 =	por !p2, p0  }
0x20: {  	[sflag:s8] =	ssyncset.s32 @!p0 $0xFFFFF086;
	s6 =	sadd.s32 @!p0 s3, s7;
	s7 =	simm.s32 @!p0 $0x108  }
0x21: {  	s3 =	sadd.s32 s3, s9;
	s6 =	sadd.s32 @!p0 $0x88, s6;
	s7 =	simm.s32 @p2 $0x1082  }
0x22: {  	[simem:s7], [sflag:s8] =	dma.local @!p0 [hbm:s6], $0xF7A  }
0x23: {  	s9 =	sor.u32 $0xD0000000, s2;
	s6 =	simm.s32 $0x108;
	_ =	swait.ge @!p0 [sflag:s8], $0x0  }
0x24: {  	s3 =	sadd.s32 $0x88, s3;
	s6 =	simm.s32 @!p1 $0x1082;
	[sflag:s4] =	ssyncset.s32 $0xFFFFF086  }
0x25: {  	[simem:s6], [sflag:s4] =	dma.local [hbm:s3], $0xF7A  }
0x26: {  	[smem:$0x3F9E] =	sst s1;
	(tag) =	ssettag s2;
	_ =	strace s9  }
0x27: {  	s1 =	sld [smem:$0x3FAE]  }
0x28: {  	s2 =	sld [smem:$0x3FAF]  }
0x29: {  	s4 =	sld [smem:$0x3FB1]  }
0x2a: {  	p0 =	seq.s32 s5, $0x0;
	s5 =	sld [smem:$0x3FB2]  }
0x2b: {  	s6 =	sld [smem:$0x3FB3]  }
0x2c: {  	s7 =	sld [smem:$0x3FB4]  }
0x2d: {  	s3 =	simm.s32 $0x108;
	s8 =	sld [smem:$0x3FB5]  }
0x2e: {  	s3 =	simm.s32 @!p0 $0x1082;
	s9 =	sld [smem:$0x3FB6]  }
0x2f: {  	lr =	sadd.s32 s0, s3;
	s0 =	sld [smem:$0x3FAD]  }
0x30: {  	s3 =	sld [smem:$0x3FB0]  }
0x31: {  	[smem:$0x3FB9] =	sst s10  }
0x32: {  	s10 =	sld [smem:$0x3FB7];
	_ =	sdelay $0x3  }
0x33: {  	p0 =	seq.s32 s10, $0x1;
	s10 =	sld [smem:$0x3FB9];
	_ =	sdelay $0x3  }
0x34: {  	[smem:$0x3FB9] =	sst s10  }
0x35: {  	s10 =	sld [smem:$0x3FB8];
	_ =	sdelay $0x3  }
0x36: {  	p1 =	seq.s32 s10, $0x1;
	s10 =	sld [smem:$0x3FB9];
	_ =	sdelay $0x3  }
0x37: {  	[smem:$0x3FB9] =	sst s10  }
0x38: {  	s10 =	sld [smem:$0x3FBA]  }
0x39: {  	_ = 	snop;
	(pc) =	sbr.ind lr, $3  }
0x3a: {  	_ = 	snop  }
0x3b: {  	_ = 	snop  }
0x3c: {  	p2 =	seq.s32 s10, $0x1;
	s10 =	sld [smem:$0x3FB9]  }
0x3d: {  	_ =	shalt  }
0x3e: {  	_ =	shalt  }
0x3f: {  	_ =	shalt  }
0x40: {  	_ =	shalt  }
0x41: {  	_ =	shalt  }
0x42: {  	_ =	shalt  }
0x43: {  	_ =	shalt  }
0x44: {  	_ =	shalt  }
0x45: {  	_ =	shalt  }
0x46: {  	_ =	shalt  }
0x47: {  	_ =	shalt  }
0x48: {  	_ =	shalt  }
0x49: {  	_ =	shalt  }
0x4a: {  	_ =	shalt  }
0x4b: {  	_ =	shalt  }
0x4c: {  	_ =	shalt  }
0x4d: {  	_ =	shalt  }
0x4e: {  	_ =	shalt  }
0x4f: {  	_ =	shalt  }
0x50: {  	_ =	shalt  }
0x51: {  	_ =	shalt  }
0x52: {  	_ =	shalt  }
0x53: {  	_ =	shalt  }
0x54: {  	_ =	shalt  }
0x55: {  	_ =	shalt  }
0x56: {  	_ =	shalt  }
0x57: {  	_ =	shalt  }
0x58: {  	_ =	shalt  }
0x59: {  	_ =	shalt  }
0x5a: {  	_ =	shalt  }
0x5b: {  	_ =	shalt  }
0x5c: {  	_ =	shalt  }
0x5d: {  	_ =	shalt  }
0x5e: {  	_ =	shalt  }
0x5f: {  	_ =	shalt  }
0x60: {  	_ =	shalt  }
0x61: {  	_ =	shalt  }
0x62: {  	_ =	shalt  }
0x63: {  	_ =	shalt  }
0x64: {  	_ =	shalt  }
0x65: {  	_ =	shalt  }
0x66: {  	_ =	shalt  }
0x67: {  	_ =	shalt  }
0x68: {  	_ =	shalt  }
0x69: {  	_ =	shalt  }
0x6a: {  	_ =	shalt  }
0x6b: {  	_ =	shalt  }
0x6c: {  	_ =	shalt  }
0x6d: {  	_ =	shalt  }
0x6e: {  	_ =	shalt  }
0x6f: {  	_ =	shalt  }
0x70: {  	_ =	shalt  }
0x71: {  	_ =	shalt  }
0x72: {  	_ =	shalt  }
0x73: {  	_ =	shalt  }
0x74: {  	_ =	shalt  }
0x75: {  	_ =	shalt  }
0x76: {  	_ =	shalt  }
0x77: {  	_ =	shalt  }
0x78: {  	_ =	shalt  }
0x79: {  	_ =	shalt  }
0x7a: {  	_ =	shalt  }
0x7b: {  	_ =	shalt  }
0x7c: {  	_ =	shalt  }
0x7d: {  	_ =	shalt  }
0x7e: {  	_ =	shalt  }
0x7f: {  	_ =	shalt  }
0x80: {  	_ =	shalt  }
0x81: {  	_ =	shalt  }
0x82: {  	_ =	shalt  }
0x83: {  	_ =	shalt  }
0x84: {  	_ =	shalt  }
0x85: {  	_ =	shalt  }
0x86: {  	_ =	shalt  }
0x87: {  	_ =	shalt  }
.Lfunc_end0:
.L_simem_size_0:
called_computation_lowered:
.L_overlay_start_0:
0x88: {  	s0 =	sld [smem:$0x3FD9]  }
0x89: {  	s1 =	sld [smem:$0x3FFE];
	_ =	sdelay $0x3  }
0x8a: {  	s0 =	sadd.s32 s1, s0  }
0x8b: {  	[smem:$0x3FC5] =	sst s0  }
0x8c: {  	_ = 	snop  }
0x8d: {  	s0 =	sld [smem:$0x3FD0];
	(tm) =	ssettm $0x1  }
0x8e: {  	s16 =	sld [smem:$0x3FFB];
	_ =	sdelay $0x3  }
0x8f: {  	_ =	strace s16  }
0x90: {  	s1 =	sld [smem:$0x3FFC];
	_ =	sdelay $0x3  }
0x91: {  	_ =	strace s1  }
0x92: {  	s1 =	sld [smem:$0x3FFD];
	_ =	sdelay $0x3  }
0x93: {  	_ =	strace s1  }
0x94: {  	_ =	strace $0x8FFFFFFF  }
0x95: {  	s17 =	sld [smem:$0x3FDB];
	_ =	sdelay $0x1  }
0x96: {  	s2 =	simm.s32 $_scs_section_size  }
0x97: {  	s3 =	simm.s32 $_size__tile_overlayer_lowered;
	s4 =	simm.s32 $_tile_overlayer_lowered  }
0x98: {  	s20 =	simm.s32 $0x1BFF;
	s19 =	sshll.u32 s4, $0x1;
	s1 =	sadd.s32 s2, s17  }
0x99: {  	s5 =	simm.s32 $0x0;
	s18 =	sshll.u32 s3, $0x1;
	s3 =	sadd.s32 s19, s1  }
0x9a: {  	[timem:s5], [sflag:s20] =	dma.local [hbm:s3], s18  }
0x9b: {  	_ =	swait.ge [sflag:s20], s18  }
0x9c: {  	s2 =	ssub.s32 $0x0, s18;
	[sflag:s20] =	ssyncset.done $0x0  }
0x9d: {  	[sflag:s20] =	ssyncadd.s32 s2;
	_ =	sdelay $0x1  }
0x9e: {  	s21 =	simm.s32 $0x1B8B  }
0x9f: {  	_ =	swait.ge [sflag:s21], $0x1  }
0xa0: {  	[sflag:s21] =	ssyncset.done $0x0  }
0xa1: {  	s23 =	simm.s32 $0x1B8E;
	s22 =	sld [smem:$0x3FFE];
	[sflag:s21] =	ssyncadd.s32 $0xFFFFFFFF  }
0xa2: {  	s24 =	simm.s32 $execute0_lowered;
	[smem:$0x3FD2] =	sst s23  }
0xa3: {  	s3 =	sshll.u32 s24, $0x1;
	_ =	strace $0x80000046;
	[dreg:$0x1] =	wrdreg $0xFFFFFFFF  }
0xa4: {  	s25 =	simm.s32 $_size_execute0_lowered;
	s1 =	sadd.s32 s1, s3;
	[dreg:$0x0] =	wrdreg $0x0  }
0xa5: {  	s3 =	sshll.u32 s25, $0x1;
	[dreg:$0x2] =	wrdreg s1  }
0xa6: {  	[dreg:$0x3] =	wrdreg s3  }
0xa7: {  	[dreg:$0x4] =	wrdreg $0xC0  }
0xa8: {  	_ =	task [dreg:s5], $0x5FFFF  }
0xa9: {  	[dreg:$0x1] =	wrdreg $0xFFFFFFFF  }
0xaa: {  	[dreg:$0x0] =	wrdreg $0x60  }
0xab: {  	[dreg:$0x2] =	wrdreg s22  }
0xac: {  	[dreg:$0x3] =	wrdreg s0  }
0xad: {  	[dreg:$0x4] =	wrdreg $0x4A800  }
0xae: {  	[dreg:$0x5] =	wrdreg $0x9  }
0xaf: {  	_ =	task.clear_ibuf [dreg:s5], $0x6FFFF;
	_ =	strace $0x90000046  }
0xb0: {  	s26 =	simm.s32 $0x9;
	_ =	strace $0x80000048  }
0xb1: {  	_ =	swait.ge [sflag:s26], $0x1  }
0xb2: {  	[sflag:s26] =	ssyncadd.s32 $0xFFFFFFFF  }
0xb3: {  	_ =	strace $0x90000048  }
0xb4: {  	_ =	sfence  }
0xb5: {  	s28 =	sld [smem:$0x0];
	_ =	sdelay $0x1  }
0xb6: {  	s29 =	srdreg.scid  }
0xb7: {  	s30 =	sshll.u32 s29, $0xD;
	s31 =	sshrl.u32 s29, $0x2  }
0xb8: {  	s2 =	sand.u32 $0x4000, s30;
	s1 =	sand.u32 $0x1, s29;
	s0 =	sadd.s32 s31, s28  }
0xb9: {  	s1 =	sor.u32 s2, s1;
	s0 =	sshll.u32 s0, $0x11  }
0xba: {  	s0 =	sor.u32 s0, s1  }
0xbb: {  	s0 =	sadd.s32 $0x8F2B, s0  }
0xbc: {  	[sflag:s0] =	ssyncadd.remote.s32 $0x1  }
0xbd: {  	_ =	sfence.sel $0xFFFF  }
0xbe: {  	[dreg:$0x0] =	wrdreg $0xFFFFFFFF;
	(pc) =	sbr.abs _section_cstart, $3  }
0xbf: {  	[dreg:$0x1] =	wrdreg $0xFFFFFFFF  }
0xc0: {  	_ =	task.clear_ibuf [dreg:s5], $0x2FFFF;
	_ =	strace $0x9FFFFFFF  }
0xc1: {  	(tm) =	ssettm $0x7FFFFFFF  }
tec
execute0_lowered:
.L_overlay_start_1:
0x0: {  	(tag) =	ssettag $0x1  }
0x1: {  	s4 =	rddreg [dreg:$0x0];
	s3 =	stileid.u32  }
0x2: {  	s1 =	rddreg [dreg:$0x1];
	s6 =	smul.u32 $0x310, s3  }
0x3: {  	s2 =	rddreg [dreg:$0x2];
	s5 =	simm.s32 $0x0  }
0x4: {  	[smem:$0x7FF] =	sst s5;
	s7 =	sadd.s32 s6, s4  }
0x5: {  	s0 =	rddreg [dreg:$0x3];
	_ =	strace $0x80000047;
	s8 =	sadd.s32 $0x800, s7  }
0x6: {  	[tilespmem:s5], [sflag:$0x1] =	stream.linear.gather [hbm4b:s8+s5], $0x1880, $0x38;
	[tilespmem:$0x5C80] =	vst v63  }
0x7: {  	s26 =	simm.s32 $0x1880;
	s4 =	sadd.s32 $0x6C00, s4;
	s7 =	sadd.s32 $0x3A00, s7  }
0x8: {  	[tilespmem:s26], [sflag:$0x2] =	stream.linear.gather [hbm4b:s7+s5], $0x1880, $0x38;
	[tilespmem:$0x5C80] =	vst v63  }
0x9: {  	s28 =	simm.s32 $0x3100;
	s29 =	simm.s32 $0x1;
	s6 =	sadd.s32 s4, s6  }
0xa: {  	[tilespmem:s28], [sflag:$0x3] =	stream.linear.gather [hbm4b:s6+s5], $0x1880, $0x38;
	[tilespmem:$0x5C80] =	vst v63  }
0xb: {  	_ =	swait.ge [sflag:s29], $0x1880  }
0xc: {  	[sflag:s29] =	ssyncset.done $0x0  }
0xd: {  	s30 =	simm.s32 $0x2;
	[sflag:s29] =	ssyncadd.s32 $0xFFFFE780  }
0xe: {  	_ =	swait.ge [sflag:s30], $0x1880  }
0xf: {  	[sflag:s30] =	ssyncset.done $0x0  }
0x10: {  	s31 =	simm.s32 $0x3;
	[sflag:s30] =	ssyncadd.s32 $0xFFFFE780  }
0x11: {  	_ =	swait.ge [sflag:s31], $0x1880  }
0x12: {  	[sflag:s31] =	ssyncset.done $0x0  }
0x13: {  	[sflag:s31] =	ssyncadd.s32 $0xFFFFE780  }
0x14: {  	v1 =	vld [tilespmem:$0x3100];
	_ =	sdelay $0x3  }
0x15: {  	v0 =	vimm.f32 $0.0e+00  }
0x16: {  	[tilespmem:$0x4980] =	vst v0;
	(v2sf) =	vpush v1, $0x0  }
0x17: {  	[tilespmem:$0x4990] =	vst v0  }
0x18: {  	[tilespmem:$0x49A0] =	vst v0  }
0x19: {  	[tilespmem:$0x49B0] =	vst v0  }
0x1a: {  	[tilespmem:$0x49C0] =	vst v0  }
0x1b: {  	[tilespmem:$0x49D0] =	vst v0  }
0x1c: {  	[tilespmem:$0x49E0] =	vst v0  }
0x1d: {  	[tilespmem:$0x49F0] =	vst v0  }
0x1e: {  	[tilespmem:$0x4A00] =	vst v0  }
0x1f: {  	[tilespmem:$0x4A10] =	vst v0  }
0x20: {  	[tilespmem:$0x4A20] =	vst v0  }
.Ltmp0:
0x21: {  	[tilespmem:$0x4A30] =	vst v0;
	(pc) =	sbr.rel .LBB2_1-.Ltmp0, $4  }
0x22: {  	[tilespmem:$0x4A40] =	vst v0  }
0x23: {  	[tilespmem:$0x4A50] =	vst v0  }
0x24: {  	vm1 =	vcmask $0x704;
	[tilespmem:$0x4A60] =	vst v0;
	v1 =	vimm.s32 $0x0  }
0x25: {  	s10 =	simm.f32 $0.0e+00;
	vm0 =	vmmov $0x1;
	v2 =	vimm.f32 $0.0e+00;
	s7 =	simm.s32 $0x4980;
	[tilespmem:$0x4A70] =	vst v0;
	v1 =	vsel vm1, $0x80, v1;
	s6 =	spop (v2sf)  }
.LBB2_2:
0x26: {  	_ = 	snop  }
0x27: {  	v2 =	vadd.f32 v3, v2;
	s10 =	sadd.f32 $6.400000000e+01, s10  }
.LBB2_44:
0x28: {  	s5 =	sadd.s32 $0x1, s5  }
0x29: {  	p1 =	sne.s32 s5, $0x62  }
.Ltmp1:
0x2a: {  	_ = 	snop;
	(pc) =	sbr.rel @!p1 .LBB2_45-.Ltmp1, $2  }
0x2b: {  	_ =	sdelay $0x2  }
0x2c: {  	s6 =	smov.u32 @p0 s8  }
.LBB2_1:
0x2d: {  	s9 =	sshll.u32 s5, $0x6  }
0x2e: {  	v3 =	vld [tilespmem:s9+$0x3100]  }
0x2f: {  	v4 =	vld [tilespmem:s9+$0x3130];
	_ =	sdelay $0x2  }
0x30: {  	v5 =	vld [tilespmem:s9+$0x1880]  }
0x31: {  	v6 =	vld [tilespmem:s9+$0x1890];
	(v2sf) =	vpush v3, $0x0  }
0x32: {  	v7 =	vld [tilespmem:s9+$0x18A0];
	(v2sf) =	vpush v4, $0xF  }
0x33: {  	v8 =	vld [tilespmem:s9+$0x18B0];
	_ =	sdelay $0x1  }
0x34: {  	v3 =	vand.u32 $0x7FFFFFFF, v5  }
0x35: {  	v3 =	vadd.f32 $1.000000010e-01, v3;
	v4 =	vand.u32 $0x7FFFFFFF, v6  }
0x36: {  	v9 =	vand.u32 $0x7FFFFFFF, v7;
	v4 =	vadd.f32 $1.000000010e-01, v4  }
0x37: {  	v56 =	vand.u32 $0x7FFFFFFF, v8;
	(erf) = vrcp.f32 v3;
	v3 =	vadd.f32 $1.000000010e-01, v9  }
0x38: {  	(erf) = vrcp.f32 v4;
	v4 =	vadd.f32 $1.000000010e-01, v56  }
0x39: {  	v57 =	vld [tilespmem:s9+$0x0];
	(erf) = vrcp.f32 v3  }
0x3a: {  	v10 =	vld [tilespmem:s9+$0x30];
	(erf) = vrcp.f32 v4  }
0x3b: {  	v3 =	vld [tilespmem:s9+$0x10]  }
0x3c: {  	v4 =	vld [tilespmem:s9+$0x20];
	_ =	sdelay $0x2  }
0x3d: {  	v5 =	vsub.f32 v57, v5;
	s11 =	spop (v2sf)  }
0x3e: {  	s8 =	smov.u32 s6;
	v60 =	vsub.f32 v10, v8;
	v3 =	vsub.f32 v3, v6;
	v58 =	vpop (erf);
	s6 =	spop (v2sf)  }
0x3f: {  	v4 =	vsub.f32 v4, v7;
	v59 =	vpop (erf);
	p0 =	seq.s32 s11, s8;
	p1 =	seq.s32 s11, s6  }
0x40: {  	v5 =	vand.u32 $0x7FFFFFFF, v5;
	v62 =	vand.u32 $0x7FFFFFFF, v60;
	v3 =	vand.u32 $0x7FFFFFFF, v3;
	v61 =	vpop (erf);
	p0 =	por !p0, !p1  }
0x41: {  	v5 =	vmul.f32 v58, v5;
	v4 =	vand.u32 $0x7FFFFFFF, v4;
	v3 =	vmul.f32 v59, v3;
	v63 =	vpop (erf);
	p0 =	por !p0, !p0  }
.Ltmp2:
0x42: {  	v4 =	vmul.f32 v61, v4;
	v6 =	vmul.f32 v63, v62;
	(pc) =	sbr.rel @p0 .LBB2_2-.Ltmp2, $3  }
0x43: {  	_ = 	snop  }
0x44: {  	v3 =	vadd.f32 v3, v5;
	v4 =	vadd.f32 v6, v4;
	_ =	sdelay $0x1  }
0x45: {  	v3 =	vadd.f32 v4, v3  }
0x46: {  	(xrf2) =	vadd.scan.msk.f32 $0xffff, v2;
	_ =	sdelay $0x8  }
0x47: {  	v2 =	vadd.s32 s8, v1  }
.Ltmp3:
0x48: {  	v4, _, _ =	vpop (xrf2);
	(pc) =	sbr.rel @p1 .LBB2_44-.Ltmp3, $3  }
0x49: {  	v4 =	vbroadcast v4, $0xF;
	_ =	sdelay $0x1  }
0x4a: {  	v4 =	vnsel vm0, s10, v4  }
0x4b: {  	s10 =	simm.f32 $6.400000000e+01;
	[tilespmem:v2+s7+$0x0] =	vst.idx.add.f32.msk $0x3, v4;
	v2 =	vmov v3  }
0x4c: {  	v2 =	vld [tilespmem:s9+$0x3100];
	_ =	sdelay $0x4  }
0x4d: {  	(v2sf) =	vpush v2, $0x0  }
0x4e: {  	(v2sf) =	vpush v2, $0xF;
	_ =	sdelay $0x4  }
0x4f: {  	v3 =	vld [tilespmem:s9+$0x1880];
	_ =	sdelay $0x4  }
0x50: {  	v4 =	vand.u32 $0x7FFFFFFF, v3  }
0x51: {  	v4 =	vadd.f32 $1.000000010e-01, v4;
	_ =	sdelay $0x1  }
0x52: {  	(erf) = vrcp.f32 v4  }
0x53: {  	s12 =	spop (v2sf)  }
0x54: {  	s10 =	spop (v2sf)  }
0x55: {  	s11 =	sadd.s32 $0x1, s10  }
0x56: {  	p1 =	sge.s32 s12, s11  }
.Ltmp4:
0x57: {  	_ = 	snop;
	(pc) =	sbr.rel @p1 .LBB2_14-.Ltmp4, $2  }
0x58: {  	_ =	sdelay $0x2  }
0x59: {  	v5 =	vld [tilespmem:s9+$0x0];
	v4 =	vpop (erf)  }
0x5a: {  	_ =	sdelay $0x3  }
0x5b: {  	s10 =	sadd.s32 $0x1, s12;
	v3 =	vsub.f32 v5, v3  }
0x5c: {  	p3 =	sne.s32 s11, s10  }
.Ltmp5:
0x5d: {  	v3 =	vand.u32 $0x7FFFFFFF, v3;
	(pc) =	sbr.rel @!p3 .LBB2_6-.Ltmp5, $4  }
0x5e: {  	v5 =	vmul.f32 v4, v3  }
0x5f: {  	vm2 =	veq.s32 v2, s12  }
0x60: {  	v4 =	vnsel vm2, $0x0, v5  }
0x61: {  	p1 =	por $0x0, $0x0;
	p2 =	por $0x0, $0x0;
	v3 =	vsel vm2, $0x3F800000, v0;
	(xrf2) =	vadd.scan.msk.f32 $0xffff, v4  }
0x62: {  	vm2 =	veq.s32 v2, s10  }
0x63: {  	(xrf2) =	vadd.scan.msk.f32 $0xffff, v3;
	v4 =	vnsel vm2, $0x0, v5  }
0x64: {  	s13 =	sadd.s32 $0x1, s10;
	(xrf2) =	vadd.scan.msk.f32 $0xffff, v4  }
0x65: {  	p3 =	sne.s32 s11, s13  }
.Ltmp6:
0x66: {  	_ = 	snop;
	(pc) =	sbr.rel @!p3 .LBB2_8-.Ltmp6, $2  }
0x67: {  	_ =	sdelay $0x2  }
0x68: {  	p1 =	por $0x1, $0x1;
	v3 =	vsel vm2, $0x3F800000, v0  }
0x69: {  	s14 =	sadd.s32 $0x1, s13  }
0x6a: {  	vm2 =	veq.s32 v2, s13;
	p3 =	sne.s32 s11, s14  }
.Ltmp7:
0x6b: {  	(xrf2) =	vadd.scan.msk.f32 $0xffff, v3;
	v7 =	vnsel vm2, $0x0, v5;
	(pc) =	sbr.rel @!p3 .LBB2_10-.Ltmp7, $3  }
0x6c: {  	(xrf2) =	vadd.scan.msk.f32 $0xffff, v7;
	_ =	sdelay $0x1  }
0x6d: {  	v6, _, _ =	vpop (xrf2)  }
0x6e: {  	v4 =	vadd.s32 s12, v1;
	p2 =	por $0x1, $0x1;
	v3 =	vsel vm2, $0x3F800000, v0;
	v6 =	vbroadcast v6, $0xF;
	v7, _, _ =	vpop (xrf2)  }
.LBB2_11:
0x6f: {  	s12 =	smov.u32 s14;
	s14 =	sadd.s32 $0x1, s14  }
0x70: {  	v7 =	vbroadcast v7, $0xF;
	p3 =	sne.s32 s11, s14  }
.Ltmp8:
0x71: {  	(xrf2) =	vadd.scan.msk.f32 $0xffff, v3;
	(pc) =	sbr.rel @p3 .LBB2_11-.Ltmp8, $4  }
0x72: {  	vm2 =	veq.s32 v2, s12;
	v8, _, _ =	vpop (xrf2);
	v6 =	vsel vm0, v6, v7  }
0x73: {  	v9 =	vnsel vm2, $0x0, v5;
	v3 =	vsel vm2, $0x3F800000, v0;
	[tilespmem:v4+s7+$0x0] =	vst.idx.add.f32.msk $0x3, v6;
	v4 =	vadd.s32 s10, v1;
	s10 =	smov.u32 s13;
	s13 =	smov.u32 s12  }
0x74: {  	(xrf2) =	vadd.scan.msk.f32 $0xffff, v9  }
0x75: {  	v6 =	vbroadcast v8, $0xF;
	v7, _, _ =	vpop (xrf2)  }
0x76: {  	s11 =	smov.u32 s10;
	s12 =	smov.u32 s13  }
.LBB2_13:
0x77: {  	(xrf2) =	vadd.scan.msk.f32 $0xffff, v3;
	_ =	sdelay $0x6  }
0x78: {  	v2, _, _ =	vpop @p1 (xrf2);
	v3 =	vadd.s32 @p1 s11, v1  }
0x79: {  	v5 =	vbroadcast @p2 v7, $0xF;
	v7, _, _ =	vpop @p1 (xrf2);
	v3 =	vpsel p1, v3, v0  }
0x7a: {  	v9 =	vadd.s32 s12, v1;
	v2 =	vbroadcast @p1 v2, $0xF;
	v7 =	vpsel p1, v7, v0;
	v8, _, _ =	vpop (xrf2)  }
0x7b: {  	v5 =	vsel @p2 vm0, v6, v5;
	v6 =	vbroadcast @p1 v7, $0xF;
	v63, _, _ =	vpop (xrf2)  }
0x7c: {  	v2 =	vpsel p1, v2, v0;
	v8 =	vbroadcast v8, $0xF;
	v7 =	vbroadcast v63, $0xF  }
0x7d: {  	[tilespmem:v4+s7+$0x0] =	vst.idx.add.f32.msk @p2 $0x3, v5;
	v2 =	vsel @p1 vm0, v2, v6  }
0x7e: {  	[tilespmem:v3+s7+$0x0] =	vst.idx.add.f32.msk @p1 $0x3, v2;
	v2 =	vsel vm0, v8, v7  }
0x7f: {  	[tilespmem:v9+s7+$0x0] =	vst.idx.add.f32.msk $0x3, v2  }
.LBB2_14:
0x80: {  	s10 =	sor.u32 $0x10, s9  }
0x81: {  	v2 =	vld [tilespmem:s10+$0x3100];
	_ =	sdelay $0x4  }
0x82: {  	(v2sf) =	vpush v2, $0x0  }
0x83: {  	(v2sf) =	vpush v2, $0xF;
	_ =	sdelay $0x4  }
0x84: {  	v3 =	vld [tilespmem:s10+$0x1880];
	_ =	sdelay $0x4  }
0x85: {  	v4 =	vand.u32 $0x7FFFFFFF, v3  }
0x86: {  	v4 =	vadd.f32 $1.000000010e-01, v4;
	_ =	sdelay $0x1  }
0x87: {  	(erf) = vrcp.f32 v4  }
0x88: {  	s12 =	spop (v2sf)  }
0x89: {  	s11 =	spop (v2sf)  }
0x8a: {  	s11 =	sadd.s32 $0x1, s11  }
0x8b: {  	p1 =	sge.s32 s12, s11  }
.Ltmp9:
0x8c: {  	_ = 	snop;
	(pc) =	sbr.rel @p1 .LBB2_24-.Ltmp9, $2  }
0x8d: {  	_ =	sdelay $0x2  }
0x8e: {  	v5 =	vld [tilespmem:s10+$0x0];
	v4 =	vpop (erf)  }
0x8f: {  	_ =	sdelay $0x3  }
0x90: {  	s10 =	sadd.s32 $0x1, s12;
	v3 =	vsub.f32 v5, v3  }
0x91: {  	p3 =	sne.s32 s11, s10  }
.Ltmp10:
0x92: {  	v3 =	vand.u32 $0x7FFFFFFF, v3;
	(pc) =	sbr.rel @!p3 .LBB2_16-.Ltmp10, $4  }
0x93: {  	v5 =	vmul.f32 v4, v3  }
0x94: {  	vm2 =	veq.s32 v2, s12  }
0x95: {  	v4 =	vnsel vm2, $0x0, v5  }
0x96: {  	p1 =	por $0x0, $0x0;
	p2 =	por $0x0, $0x0;
	v3 =	vsel vm2, $0x3F800000, v0;
	(xrf2) =	vadd.scan.msk.f32 $0xffff, v4  }
0x97: {  	vm2 =	veq.s32 v2, s10  }
0x98: {  	(xrf2) =	vadd.scan.msk.f32 $0xffff, v3;
	v4 =	vnsel vm2, $0x0, v5  }
0x99: {  	s13 =	sadd.s32 $0x1, s10;
	(xrf2) =	vadd.scan.msk.f32 $0xffff, v4  }
0x9a: {  	p3 =	sne.s32 s11, s13  }
.Ltmp11:
0x9b: {  	_ = 	snop;
	(pc) =	sbr.rel @!p3 .LBB2_18-.Ltmp11, $2  }
0x9c: {  	_ =	sdelay $0x2  }
0x9d: {  	p1 =	por $0x1, $0x1;
	v3 =	vsel vm2, $0x3F800000, v0  }
0x9e: {  	s14 =	sadd.s32 $0x1, s13  }
0x9f: {  	vm2 =	veq.s32 v2, s13;
	p3 =	sne.s32 s11, s14  }
.Ltmp12:
0xa0: {  	(xrf2) =	vadd.scan.msk.f32 $0xffff, v3;
	v7 =	vnsel vm2, $0x0, v5;
	(pc) =	sbr.rel @!p3 .LBB2_20-.Ltmp12, $3  }
0xa1: {  	(xrf2) =	vadd.scan.msk.f32 $0xffff, v7;
	_ =	sdelay $0x1  }
0xa2: {  	v6, _, _ =	vpop (xrf2)  }
0xa3: {  	v4 =	vadd.s32 s12, v1;
	p2 =	por $0x1, $0x1;
	v3 =	vsel vm2, $0x3F800000, v0;
	v6 =	vbroadcast v6, $0xF;
	v7, _, _ =	vpop (xrf2)  }
.LBB2_21:
0xa4: {  	s12 =	smov.u32 s14;
	s14 =	sadd.s32 $0x1, s14  }
0xa5: {  	v7 =	vbroadcast v7, $0xF;
	p3 =	sne.s32 s11, s14  }
.Ltmp13:
0xa6: {  	(xrf2) =	vadd.scan.msk.f32 $0xffff, v3;
	(pc) =	sbr.rel @p3 .LBB2_21-.Ltmp13, $4  }
0xa7: {  	vm2 =	veq.s32 v2, s12;
	v8, _, _ =	vpop (xrf2);
	v6 =	vsel vm0, v6, v7  }
0xa8: {  	v9 =	vnsel vm2, $0x0, v5;
	v3 =	vsel vm2, $0x3F800000, v0;
	[tilespmem:v4+s7+$0x0] =	vst.idx.add.f32.msk $0x3, v6;
	v4 =	vadd.s32 s10, v1;
	s10 =	smov.u32 s13;
	s13 =	smov.u32 s12  }
0xa9: {  	(xrf2) =	vadd.scan.msk.f32 $0xffff, v9  }
0xaa: {  	v6 =	vbroadcast v8, $0xF;
	v7, _, _ =	vpop (xrf2)  }
0xab: {  	s11 =	smov.u32 s10;
	s12 =	smov.u32 s13  }
.LBB2_23:
0xac: {  	(xrf2) =	vadd.scan.msk.f32 $0xffff, v3;
	_ =	sdelay $0x6  }
0xad: {  	v2, _, _ =	vpop @p1 (xrf2);
	v3 =	vadd.s32 @p1 s11, v1  }
0xae: {  	v5 =	vbroadcast @p2 v7, $0xF;
	v7, _, _ =	vpop @p1 (xrf2);
	v3 =	vpsel p1, v3, v0  }
0xaf: {  	v9 =	vadd.s32 s12, v1;
	v2 =	vbroadcast @p1 v2, $0xF;
	v7 =	vpsel p1, v7, v0;
	v8, _, _ =	vpop (xrf2)  }
0xb0: {  	v5 =	vsel @p2 vm0, v6, v5;
	v6 =	vbroadcast @p1 v7, $0xF;
	v63, _, _ =	vpop (xrf2)  }
0xb1: {  	v2 =	vpsel p1, v2, v0;
	v8 =	vbroadcast v8, $0xF;
	v7 =	vbroadcast v63, $0xF  }
0xb2: {  	[tilespmem:v4+s7+$0x0] =	vst.idx.add.f32.msk @p2 $0x3, v5;
	v2 =	vsel @p1 vm0, v2, v6  }
0xb3: {  	[tilespmem:v3+s7+$0x0] =	vst.idx.add.f32.msk @p1 $0x3, v2;
	v2 =	vsel vm0, v8, v7  }
0xb4: {  	[tilespmem:v9+s7+$0x0] =	vst.idx.add.f32.msk $0x3, v2  }
.LBB2_24:
0xb5: {  	s10 =	sor.u32 $0x20, s9  }
0xb6: {  	v2 =	vld [tilespmem:s10+$0x3100];
	_ =	sdelay $0x4  }
0xb7: {  	(v2sf) =	vpush v2, $0x0  }
0xb8: {  	(v2sf) =	vpush v2, $0xF;
	_ =	sdelay $0x4  }
0xb9: {  	v3 =	vld [tilespmem:s10+$0x1880];
	_ =	sdelay $0x4  }
0xba: {  	v4 =	vand.u32 $0x7FFFFFFF, v3  }
0xbb: {  	v4 =	vadd.f32 $1.000000010e-01, v4;
	_ =	sdelay $0x1  }
0xbc: {  	(erf) = vrcp.f32 v4  }
0xbd: {  	s12 =	spop (v2sf)  }
0xbe: {  	s11 =	spop (v2sf)  }
0xbf: {  	s11 =	sadd.s32 $0x1, s11  }
0xc0: {  	p1 =	sge.s32 s12, s11  }
.Ltmp14:
0xc1: {  	_ = 	snop;
	(pc) =	sbr.rel @p1 .LBB2_34-.Ltmp14, $2  }
0xc2: {  	_ =	sdelay $0x2  }
0xc3: {  	v5 =	vld [tilespmem:s10+$0x0];
	v4 =	vpop (erf)  }
0xc4: {  	_ =	sdelay $0x3  }
0xc5: {  	s10 =	sadd.s32 $0x1, s12;
	v3 =	vsub.f32 v5, v3  }
0xc6: {  	p3 =	sne.s32 s11, s10  }
.Ltmp15:
0xc7: {  	v3 =	vand.u32 $0x7FFFFFFF, v3;
	(pc) =	sbr.rel @!p3 .LBB2_26-.Ltmp15, $4  }
0xc8: {  	v5 =	vmul.f32 v4, v3  }
0xc9: {  	vm2 =	veq.s32 v2, s12  }
0xca: {  	v4 =	vnsel vm2, $0x0, v5  }
0xcb: {  	p1 =	por $0x0, $0x0;
	p2 =	por $0x0, $0x0;
	v3 =	vsel vm2, $0x3F800000, v0;
	(xrf2) =	vadd.scan.msk.f32 $0xffff, v4  }
0xcc: {  	vm2 =	veq.s32 v2, s10  }
0xcd: {  	(xrf2) =	vadd.scan.msk.f32 $0xffff, v3;
	v4 =	vnsel vm2, $0x0, v5  }
0xce: {  	s13 =	sadd.s32 $0x1, s10;
	(xrf2) =	vadd.scan.msk.f32 $0xffff, v4  }
0xcf: {  	p3 =	sne.s32 s11, s13  }
.Ltmp16:
0xd0: {  	_ = 	snop;
	(pc) =	sbr.rel @!p3 .LBB2_28-.Ltmp16, $2  }
0xd1: {  	_ =	sdelay $0x2  }
0xd2: {  	p1 =	por $0x1, $0x1;
	v3 =	vsel vm2, $0x3F800000, v0  }
0xd3: {  	s14 =	sadd.s32 $0x1, s13  }
0xd4: {  	vm2 =	veq.s32 v2, s13;
	p3 =	sne.s32 s11, s14  }
.Ltmp17:
0xd5: {  	(xrf2) =	vadd.scan.msk.f32 $0xffff, v3;
	v7 =	vnsel vm2, $0x0, v5;
	(pc) =	sbr.rel @!p3 .LBB2_30-.Ltmp17, $3  }
0xd6: {  	(xrf2) =	vadd.scan.msk.f32 $0xffff, v7;
	_ =	sdelay $0x1  }
0xd7: {  	v6, _, _ =	vpop (xrf2)  }
0xd8: {  	v4 =	vadd.s32 s12, v1;
	p2 =	por $0x1, $0x1;
	v3 =	vsel vm2, $0x3F800000, v0;
	v6 =	vbroadcast v6, $0xF;
	v7, _, _ =	vpop (xrf2)  }
.LBB2_31:
0xd9: {  	s12 =	smov.u32 s14;
	s14 =	sadd.s32 $0x1, s14  }
0xda: {  	v7 =	vbroadcast v7, $0xF;
	p3 =	sne.s32 s11, s14  }
.Ltmp18:
0xdb: {  	(xrf2) =	vadd.scan.msk.f32 $0xffff, v3;
	(pc) =	sbr.rel @p3 .LBB2_31-.Ltmp18, $4  }
0xdc: {  	vm2 =	veq.s32 v2, s12;
	v8, _, _ =	vpop (xrf2);
	v6 =	vsel vm0, v6, v7  }
0xdd: {  	v9 =	vnsel vm2, $0x0, v5;
	v3 =	vsel vm2, $0x3F800000, v0;
	[tilespmem:v4+s7+$0x0] =	vst.idx.add.f32.msk $0x3, v6;
	v4 =	vadd.s32 s10, v1;
	s10 =	smov.u32 s13;
	s13 =	smov.u32 s12  }
0xde: {  	(xrf2) =	vadd.scan.msk.f32 $0xffff, v9  }
0xdf: {  	v6 =	vbroadcast v8, $0xF;
	v7, _, _ =	vpop (xrf2)  }
0xe0: {  	s11 =	smov.u32 s10;
	s12 =	smov.u32 s13  }
.LBB2_33:
0xe1: {  	(xrf2) =	vadd.scan.msk.f32 $0xffff, v3;
	_ =	sdelay $0x6  }
0xe2: {  	v2, _, _ =	vpop @p1 (xrf2);
	v3 =	vadd.s32 @p1 s11, v1  }
0xe3: {  	v5 =	vbroadcast @p2 v7, $0xF;
	v7, _, _ =	vpop @p1 (xrf2);
	v3 =	vpsel p1, v3, v0  }
0xe4: {  	v9 =	vadd.s32 s12, v1;
	v2 =	vbroadcast @p1 v2, $0xF;
	v7 =	vpsel p1, v7, v0;
	v8, _, _ =	vpop (xrf2)  }
0xe5: {  	v5 =	vsel @p2 vm0, v6, v5;
	v6 =	vbroadcast @p1 v7, $0xF;
	v63, _, _ =	vpop (xrf2)  }
0xe6: {  	v2 =	vpsel p1, v2, v0;
	v8 =	vbroadcast v8, $0xF;
	v7 =	vbroadcast v63, $0xF  }
0xe7: {  	[tilespmem:v4+s7+$0x0] =	vst.idx.add.f32.msk @p2 $0x3, v5;
	v2 =	vsel @p1 vm0, v2, v6  }
0xe8: {  	[tilespmem:v3+s7+$0x0] =	vst.idx.add.f32.msk @p1 $0x3, v2;
	v2 =	vsel vm0, v8, v7  }
0xe9: {  	[tilespmem:v9+s7+$0x0] =	vst.idx.add.f32.msk $0x3, v2  }
.LBB2_34:
0xea: {  	s10 =	sor.u32 $0x30, s9  }
0xeb: {  	v3 =	vld [tilespmem:s10+$0x3100];
	_ =	sdelay $0x4  }
0xec: {  	(v2sf) =	vpush v3, $0x0  }
0xed: {  	(v2sf) =	vpush v3, $0xF;
	_ =	sdelay $0x4  }
0xee: {  	v4 =	vld [tilespmem:s10+$0x1880];
	_ =	sdelay $0x4  }
0xef: {  	v2 =	vand.u32 $0x7FFFFFFF, v4  }
0xf0: {  	v2 =	vadd.f32 $1.000000010e-01, v2;
	_ =	sdelay $0x1  }
0xf1: {  	(erf) = vrcp.f32 v2  }
0xf2: {  	s12 =	spop (v2sf)  }
0xf3: {  	s31 =	spop (v2sf)  }
0xf4: {  	s9 =	sadd.s32 $0x1, s31  }
0xf5: {  	p1 =	sge.s32 s12, s9  }
.Ltmp19:
0xf6: {  	_ = 	snop;
	(pc) =	sbr.rel @p1 .LBB2_44-.Ltmp19, $2  }
0xf7: {  	_ =	sdelay $0x2  }
0xf8: {  	v6 =	vld [tilespmem:s10+$0x0];
	s10 =	simm.f32 $0.0e+00;
	v2 =	vimm.f32 $0.0e+00;
	v5 =	vpop (erf)  }
0xf9: {  	_ =	sdelay $0x3  }
0xfa: {  	s11 =	sadd.s32 $0x1, s12;
	v2 =	vsub.f32 v6, v4  }
0xfb: {  	p3 =	sne.s32 s9, s11  }
.Ltmp20:
0xfc: {  	v2 =	vand.u32 $0x7FFFFFFF, v2;
	(pc) =	sbr.rel @!p3 .LBB2_36-.Ltmp20, $4  }
0xfd: {  	v6 =	vmul.f32 v5, v2  }
0xfe: {  	vm2 =	veq.s32 v3, s12  }
0xff: {  	v2 =	vimm.f32 $0.0e+00;
	v5 =	vnsel vm2, $0x0, v6  }
0x100: {  	p1 =	por $0x0, $0x0;
	p2 =	por $0x0, $0x0;
	v4 =	vsel vm2, $0x3F800000, v2;
	(xrf2) =	vadd.scan.msk.f32 $0xffff, v5  }
0x101: {  	vm2 =	veq.s32 v3, s11  }
0x102: {  	(xrf2) =	vadd.scan.msk.f32 $0xffff, v4;
	v5 =	vnsel vm2, $0x0, v6  }
0x103: {  	s13 =	sadd.s32 $0x1, s11;
	(xrf2) =	vadd.scan.msk.f32 $0xffff, v5  }
0x104: {  	p3 =	sne.s32 s9, s13  }
.Ltmp21:
0x105: {  	_ = 	snop;
	(pc) =	sbr.rel @!p3 .LBB2_38-.Ltmp21, $3  }
0x106: {  	_ =	sdelay $0x1  }
0x107: {  	v2 =	vimm.f32 $0.0e+00  }
0x108: {  	p1 =	por $0x1, $0x1;
	v4 =	vsel vm2, $0x3F800000, v2  }
0x109: {  	s14 =	sadd.s32 $0x1, s13  }
0x10a: {  	vm2 =	veq.s32 v3, s13;
	p3 =	sne.s32 s9, s14  }
.Ltmp22:
0x10b: {  	(xrf2) =	vadd.scan.msk.f32 $0xffff, v4;
	v8 =	vnsel vm2, $0x0, v6;
	(pc) =	sbr.rel @!p3 .LBB2_40-.Ltmp22, $3  }
0x10c: {  	(xrf2) =	vadd.scan.msk.f32 $0xffff, v8;
	_ =	sdelay $0x1  }
0x10d: {  	v2 =	vimm.f32 $0.0e+00;
	v7, _, _ =	vpop (xrf2)  }
0x10e: {  	v5 =	vadd.s32 s12, v1;
	p2 =	por $0x1, $0x1;
	v4 =	vsel vm2, $0x3F800000, v2;
	v7 =	vbroadcast v7, $0xF;
	v8, _, _ =	vpop (xrf2)  }
.LBB2_41:
0x10f: {  	s12 =	smov.u32 s14;
	s14 =	sadd.s32 $0x1, s14  }
0x110: {  	v8 =	vbroadcast v8, $0xF;
	p3 =	sne.s32 s9, s14  }
.Ltmp23:
0x111: {  	(xrf2) =	vadd.scan.msk.f32 $0xffff, v4;
	(pc) =	sbr.rel @p3 .LBB2_41-.Ltmp23, $4  }
0x112: {  	v2 =	vimm.f32 $0.0e+00;
	vm2 =	veq.s32 v3, s12;
	v9, _, _ =	vpop (xrf2);
	v7 =	vsel vm0, v7, v8  }
0x113: {  	v10 =	vnsel vm2, $0x0, v6;
	v4 =	vsel vm2, $0x3F800000, v2;
	[tilespmem:v5+s7+$0x0] =	vst.idx.add.f32.msk $0x3, v7;
	v5 =	vadd.s32 s11, v1;
	s11 =	smov.u32 s13;
	s13 =	smov.u32 s12  }
0x114: {  	(xrf2) =	vadd.scan.msk.f32 $0xffff, v10  }
0x115: {  	v7 =	vbroadcast v9, $0xF;
	v8, _, _ =	vpop (xrf2)  }
0x116: {  	s9 =	smov.u32 s11;
	s12 =	smov.u32 s13  }
.LBB2_43:
0x117: {  	(xrf2) =	vadd.scan.msk.f32 $0xffff, v4;
	_ =	sdelay $0x6  }
0x118: {  	v3, _, _ =	vpop @p1 (xrf2);
	v4 =	vadd.s32 @p1 s9, v1  }
0x119: {  	v6 =	vbroadcast @p2 v8, $0xF;
	v8, _, _ =	vpop @p1 (xrf2);
	v4 =	vpsel p1, v4, v0  }
0x11a: {  	v10 =	vadd.s32 s12, v1;
	v3 =	vbroadcast @p1 v3, $0xF;
	v8 =	vpsel p1, v8, v0;
	v9, _, _ =	vpop (xrf2)  }
.Ltmp24:
0x11b: {  	v6 =	vsel @p2 vm0, v7, v6;
	v7 =	vbroadcast @p1 v8, $0xF;
	v63, _, _ =	vpop (xrf2);
	(pc) =	sbr.rel .LBB2_44-.Ltmp24, $4  }
0x11c: {  	v3 =	vpsel p1, v3, v0;
	v9 =	vbroadcast v9, $0xF;
	v8 =	vbroadcast v63, $0xF  }
0x11d: {  	[tilespmem:v5+s7+$0x0] =	vst.idx.add.f32.msk @p2 $0x3, v6;
	v3 =	vsel @p1 vm0, v3, v7  }
0x11e: {  	[tilespmem:v4+s7+$0x0] =	vst.idx.add.f32.msk @p1 $0x3, v3;
	v3 =	vsel vm0, v9, v8  }
0x11f: {  	[tilespmem:v10+s7+$0x0] =	vst.idx.add.f32.msk $0x3, v3  }
.LBB2_6:
.Ltmp25:
0x120: {  	(pc) =	sbr.rel .LBB2_13-.Ltmp25, $2  }
0x121: {  	_ =	sdelay $0x2  }
0x122: {  	_ = 	snop  }
.LBB2_16:
.Ltmp26:
0x123: {  	(pc) =	sbr.rel .LBB2_23-.Ltmp26, $2  }
0x124: {  	_ =	sdelay $0x2  }
0x125: {  	_ = 	snop  }
.LBB2_26:
.Ltmp27:
0x126: {  	(pc) =	sbr.rel .LBB2_33-.Ltmp27, $2  }
0x127: {  	_ =	sdelay $0x2  }
0x128: {  	_ = 	snop  }
.LBB2_36:
.Ltmp28:
0x129: {  	(pc) =	sbr.rel .LBB2_43-.Ltmp28, $2  }
0x12a: {  	_ =	sdelay $0x2  }
0x12b: {  	_ = 	snop  }
.LBB2_8:
.Ltmp29:
0x12c: {  	(pc) =	sbr.rel .LBB2_13-.Ltmp29, $2  }
0x12d: {  	_ =	sdelay $0x2  }
0x12e: {  	s11 =	smov.u32 s12;
	s12 =	smov.u32 s10  }
.LBB2_18:
.Ltmp30:
0x12f: {  	(pc) =	sbr.rel .LBB2_23-.Ltmp30, $2  }
0x130: {  	_ =	sdelay $0x2  }
0x131: {  	s11 =	smov.u32 s12;
	s12 =	smov.u32 s10  }
.LBB2_28:
.Ltmp31:
0x132: {  	(pc) =	sbr.rel .LBB2_33-.Ltmp31, $2  }
0x133: {  	_ =	sdelay $0x2  }
0x134: {  	s11 =	smov.u32 s12;
	s12 =	smov.u32 s10  }
.LBB2_38:
.Ltmp32:
0x135: {  	(pc) =	sbr.rel .LBB2_43-.Ltmp32, $2  }
0x136: {  	_ =	sdelay $0x2  }
0x137: {  	s9 =	smov.u32 s12;
	s12 =	smov.u32 s11  }
.LBB2_10:
.Ltmp33:
0x138: {  	(pc) =	sbr.rel .LBB2_13-.Ltmp33, $2  }
0x139: {  	_ =	sdelay $0x2  }
0x13a: {  	s11 =	smov.u32 s10;
	s12 =	smov.u32 s13  }
.LBB2_20:
.Ltmp34:
0x13b: {  	(pc) =	sbr.rel .LBB2_23-.Ltmp34, $2  }
0x13c: {  	_ =	sdelay $0x2  }
0x13d: {  	s11 =	smov.u32 s10;
	s12 =	smov.u32 s13  }
.LBB2_30:
.Ltmp35:
0x13e: {  	(pc) =	sbr.rel .LBB2_33-.Ltmp35, $2  }
0x13f: {  	_ =	sdelay $0x2  }
0x140: {  	s11 =	smov.u32 s10;
	s12 =	smov.u32 s13  }
.LBB2_40:
.Ltmp36:
0x141: {  	(pc) =	sbr.rel .LBB2_43-.Ltmp36, $2  }
0x142: {  	_ =	sdelay $0x2  }
0x143: {  	s9 =	smov.u32 s11;
	s12 =	smov.u32 s13  }
.LBB2_45:
0x144: {  	(xrf2) =	vadd.scan.msk.f32 $0xffff, v2;
	_ =	sdelay $0x6  }
0x145: {  	v0 =	vimm.s32 $0x0  }
0x146: {  	v0 =	vsel vm1, $0x80, v0  }
0x147: {  	v0 =	vadd.s32 s6, v0  }
0x148: {  	v1, _, _ =	vpop (xrf2)  }
0x149: {  	s5 =	sshll.u32 s3, $0x8;
	v1 =	vbroadcast v1, $0xF  }
0x14a: {  	s30 =	sshll.u32 s3, $0x7;
	s5 =	sand.u32 $0x800, s5  }
0x14b: {  	s7 =	simm.s32 $0x4980;
	s6 =	sand.u32 $0x380, s30;
	s5 =	sadd.s32 s5, s2;
	v1 =	vnsel vm0, s10, v1  }
0x14c: {  	s31 =	simm.s32 $0x80;
	s8 =	simm.s32 $0x400;
	s5 =	sadd.s32 s6, s5;
	[tilespmem:v0+s7+$0x0] =	vst.idx.add.f32.msk $0x3, v1  }
0x14d: {  	[spmem:s5] =	stream.strided.scatter [tilespmem:s7], [sflag:$0x4], $0x100, s8, s31, $0x38;
	[tilespmem:$0x5C80] =	vst v63  }
0x14e: {  	s5 =	simm.s32 $0x4  }
0x14f: {  	_ =	swait.ge [sflag:s5], $0x100  }
0x150: {  	[sflag:s5] =	ssyncset.done $0x0  }
0x151: {  	[sflag:s5] =	ssyncadd.s32 $0xFFFFFF00  }
0x152: {  	p0 =	sne.s32 s3, $0x0;
	[bflag:$0x0] =	sbarrier.arrive $0xFFFF  }
0x153: {  	_ =	sfence.sel @p0 $0x180000  }
0x154: {  	[bflag:$0x0] =	sbarrier.arrive @p0 $0xFFFF  }
0x155: {  	_ =	strace @p0 $0x90000047  }
0x156: {  	[bflag:$0x2] =	sbarrier.arrive @p0 $0xFFFF  }
0x157: {  	_ =	shalt @p0  }
.LBB2_46:
0x158: {  	s3 =	simm.s32 $0x4B80  }
0x159: {  	[tilespmem:s3], [sflag:$0x4] =	stream.linear.gather [spmem:s2], $0x1000, $0x38;
	[tilespmem:$0x5C80] =	vst v63  }
0x15a: {  	_ =	swait.ge [sflag:s5], $0x1000  }
0x15b: {  	s26 =	sadd.s32 $0x30D2, s4;
	[sflag:s5] =	ssyncset.done $0x0  }
0x15c: {  	s28 =	simm.s32 $0x0;
	s29 =	simm.s32 $0x5B80;
	[sflag:s5] =	ssyncadd.s32 $0xFFFFF000  }
0x15d: {  	[tilespmem:s29], [sflag:$0x4] =	stream.linear.gather [hbm4b:s26+s28], $0x10, $0x38;
	[tilespmem:$0x5C80] =	vst v63  }
0x15e: {  	_ =	swait.ge [sflag:s5], $0x10  }
0x15f: {  	[sflag:s5] =	ssyncset.done $0x0  }
0x160: {  	[sflag:s5] =	ssyncadd.s32 $0xFFFFFFF0  }
0x161: {  	v5 =	vld [tilespmem:$0x5B80]  }
0x162: {  	v22 =	vld [tilespmem:$0x4B80]  }
0x163: {  	v20 =	vld [tilespmem:$0x4C00]  }
0x164: {  	v18 =	vld [tilespmem:$0x4C80]  }
0x165: {  	v16 =	vld [tilespmem:$0x4D00]  }
0x166: {  	v14 =	vld [tilespmem:$0x4D80]  }
0x167: {  	v12 =	vld [tilespmem:$0x4E00]  }
0x168: {  	v10 =	vld [tilespmem:$0x4E80]  }
0x169: {  	v9 =	vld [tilespmem:$0x4F00]  }
0x16a: {  	v8 =	vld [tilespmem:$0x5380]  }
0x16b: {  	v7 =	vld [tilespmem:$0x5400]  }
0x16c: {  	v6 =	vld [tilespmem:$0x5480]  }
0x16d: {  	v4 =	vld [tilespmem:$0x5500]  }
0x16e: {  	v3 =	vld [tilespmem:$0x5580]  }
0x16f: {  	v2 =	vld [tilespmem:$0x5600]  }
0x170: {  	v1 =	vld [tilespmem:$0x5680]  }
0x171: {  	v0 =	vld [tilespmem:$0x5700]  }
0x172: {  	v35 =	vld [tilespmem:$0x4F80]  }
0x173: {  	v36 =	vld [tilespmem:$0x5000]  }
0x174: {  	v37 =	vld [tilespmem:$0x5080]  }
0x175: {  	v34 =	vld [tilespmem:$0x5100]  }
0x176: {  	v33 =	vld [tilespmem:$0x5180]  }
0x177: {  	v31 =	vld [tilespmem:$0x5200]  }
0x178: {  	v29 =	vld [tilespmem:$0x5280]  }
0x179: {  	v27 =	vld [tilespmem:$0x5300]  }
0x17a: {  	v25 =	vld [tilespmem:$0x5780]  }
0x17b: {  	v23 =	vld [tilespmem:$0x5800]  }
0x17c: {  	v21 =	vld [tilespmem:$0x5880]  }
0x17d: {  	v19 =	vld [tilespmem:$0x5900]  }
0x17e: {  	v17 =	vld [tilespmem:$0x5980]  }
0x17f: {  	v15 =	vld [tilespmem:$0x5A00]  }
0x180: {  	v13 =	vld [tilespmem:$0x5A80]  }
0x181: {  	v11 =	vld [tilespmem:$0x5B00]  }
0x182: {  	v32 =	vld [tilespmem:$0x4B90]  }
0x183: {  	v30 =	vld [tilespmem:$0x4C10]  }
0x184: {  	v28 =	vld [tilespmem:$0x4C90]  }
0x185: {  	v26 =	vld [tilespmem:$0x4D10]  }
0x186: {  	v24 =	vld [tilespmem:$0x4D90]  }
0x187: {  	v38 =	vld [tilespmem:$0x4F90]  }
0x188: {  	v39 =	vld [tilespmem:$0x5010]  }
0x189: {  	v40 =	vld [tilespmem:$0x5090]  }
0x18a: {  	v41 =	vld [tilespmem:$0x5110]  }
0x18b: {  	v42 =	vld [tilespmem:$0x5190]  }
0x18c: {  	v43 =	vld [tilespmem:$0x4BA0]  }
0x18d: {  	v44 =	vld [tilespmem:$0x4C20]  }
0x18e: {  	v45 =	vld [tilespmem:$0x4CA0]  }
0x18f: {  	v46 =	vld [tilespmem:$0x4D20]  }
0x190: {  	v47 =	vld [tilespmem:$0x4FA0]  }
0x191: {  	v48 =	vld [tilespmem:$0x5020]  }
0x192: {  	v49 =	vld [tilespmem:$0x50A0]  }
0x193: {  	v50 =	vld [tilespmem:$0x5120]  }
0x194: {  	v51 =	vld [tilespmem:$0x51A0]  }
0x195: {  	v52 =	vld [tilespmem:$0x4FB0]  }
0x196: {  	v53 =	vld [tilespmem:$0x5220]  }
0x197: {  	v54 =	vld [tilespmem:$0x5030]  }
0x198: {  	v55 =	vld [tilespmem:$0x52A0]  }
0x199: {  	v56 =	vld [tilespmem:$0x50B0]  }
0x19a: {  	v57 =	vld [tilespmem:$0x5320]  }
0x19b: {  	v61 =	vld [tilespmem:$0x4BB0]  }
0x19c: {  	v58 =	vld [tilespmem:$0x5130]  }
0x19d: {  	v62 =	vld [tilespmem:$0x4C30]  }
0x19e: {  	v59 =	vld [tilespmem:$0x57A0]  }
0x19f: {  	v60 =	vld [tilespmem:$0x5820];
	v52 =	vadd.f32 $0.0e+00, v52  }
0x1a0: {  	v63 =	vld [tilespmem:$0x4CB0];
	v61 =	vadd.f32 $0.0e+00, v61;
	v47 =	vadd.f32 $0.0e+00, v47  }
0x1a1: {  	v43 =	vadd.f32 $0.0e+00, v43;
	v52 =	vadd.f32 v54, v52;
	v54 =	vld [tilespmem:$0x51B0]  }
0x1a2: {  	v32 =	vadd.f32 $0.0e+00, v32;
	v61 =	vadd.f32 v62, v61;
	v62 =	vld [tilespmem:$0x5830]  }
0x1a3: {  	v38 =	vadd.f32 $0.0e+00, v38;
	v47 =	vadd.f32 v48, v47;
	v48 =	vld [tilespmem:$0x4DB0]  }
0x1a4: {  	v35 =	vadd.f32 $0.0e+00, v35;
	v30 =	vadd.f32 v30, v32;
	v32 =	vld [tilespmem:$0x5530]  }
0x1a5: {  	v38 =	vadd.f32 v39, v38;
	v52 =	vadd.f32 v56, v52;
	v56 =	vld [tilespmem:$0x5230]  }
0x1a6: {  	v43 =	vadd.f32 v44, v43;
	v47 =	vadd.f32 v49, v47;
	v49 =	vld [tilespmem:$0x4E30]  }
0x1a7: {  	v38 =	vadd.f32 v40, v38;
	v40 =	vld [tilespmem:$0x4F10];
	v52 =	vadd.f32 v58, v52  }
0x1a8: {  	v35 =	vadd.f32 v36, v35;
	v58 =	vld [tilespmem:$0x52B0]  }
0x1a9: {  	v43 =	vadd.f32 v45, v43;
	v45 =	vld [tilespmem:$0x5810];
	v52 =	vadd.f32 v54, v52  }
0x1aa: {  	v54 =	vld [tilespmem:$0x5330]  }
0x1ab: {  	v35 =	vadd.f32 v37, v35;
	v37 =	vld [tilespmem:$0x5620];
	v52 =	vadd.f32 v56, v52  }
0x1ac: {  	v56 =	vld [tilespmem:$0x57B0]  }
0x1ad: {  	v52 =	vadd.f32 v58, v52;
	v58 =	vld [tilespmem:$0x4D30]  }
0x1ae: {  	v38 =	vadd.f32 v41, v38;
	v41 =	vld [tilespmem:$0x4E10]  }
0x1af: {  	v47 =	vadd.f32 v50, v47;
	v50 =	vld [tilespmem:$0x5890];
	v52 =	vadd.f32 v54, v52  }
0x1b0: {  	v54 =	vadd.f32 v63, v61;
	v61 =	vld [tilespmem:$0x58B0]  }
0x1b1: {  	v47 =	vadd.f32 v51, v47;
	v51 =	vld [tilespmem:$0x4F30];
	v52 =	vadd.f32 v56, v52  }
0x1b2: {  	v22 =	vadd.f32 $0.0e+00, v22;
	v56 =	vld [tilespmem:$0x5930];
	v54 =	vadd.f32 v58, v54  }
0x1b3: {  	v52 =	vadd.f32 v62, v52;
	v62 =	vld [tilespmem:$0x4EB0]  }
0x1b4: {  	v20 =	vadd.f32 v20, v22;
	v63 =	vld [tilespmem:$0x59B0];
	v48 =	vadd.f32 v48, v54  }
0x1b5: {  	v47 =	vadd.f32 v53, v47;
	v53 =	vld [tilespmem:$0x4EA0];
	v52 =	vadd.f32 v61, v52  }
0x1b6: {  	v18 =	vadd.f32 v18, v20;
	v58 =	vld [tilespmem:$0x5A30];
	v48 =	vadd.f32 v49, v48  }
0x1b7: {  	v43 =	vadd.f32 v46, v43;
	v61 =	vld [tilespmem:$0x53B0];
	v52 =	vadd.f32 v56, v52  }
0x1b8: {  	v47 =	vadd.f32 v55, v47;
	v55 =	vld [tilespmem:$0x4F20];
	v48 =	vadd.f32 v62, v48  }
0x1b9: {  	v34 =	vadd.f32 v34, v35;
	v52 =	vadd.f32 v63, v52;
	v63 =	vld [tilespmem:$0x5430]  }
0x1ba: {  	v47 =	vadd.f32 v57, v47;
	v62 =	vld [tilespmem:$0x5AB0];
	v48 =	vadd.f32 v51, v48  }
0x1bb: {  	v16 =	vadd.f32 v16, v18;
	v49 =	vadd.f32 v58, v52;
	v58 =	vld [tilespmem:$0x58A0]  }
0x1bc: {  	v47 =	vadd.f32 v59, v47;
	v48 =	vadd.f32 v61, v48;
	v61 =	vld [tilespmem:$0x4DA0]  }
0x1bd: {  	v33 =	vadd.f32 v33, v34;
	v14 =	vadd.f32 v14, v16;
	v57 =	vld [tilespmem:$0x54B0]  }
0x1be: {  	v47 =	vadd.f32 v60, v47;
	v48 =	vadd.f32 v63, v48;
	v63 =	vld [tilespmem:$0x4E20]  }
0x1bf: {  	v31 =	vadd.f32 v31, v33;
	v49 =	vadd.f32 v62, v49;
	v62 =	vld [tilespmem:$0x5920]  }
0x1c0: {  	v12 =	vadd.f32 v12, v14;
	v44 =	vadd.f32 v58, v47;
	v58 =	vld [tilespmem:$0x5210]  }
0x1c1: {  	(v2sf) =	vpush v5, $0xF;
	v60 =	vld [tilespmem:$0x5290];
	v43 =	vadd.f32 v61, v43  }
0x1c2: {  	v29 =	vadd.f32 v29, v31;
	v10 =	vadd.f32 v10, v12;
	v56 =	vld [tilespmem:$0x5B30]  }
0x1c3: {  	v52 =	vld [tilespmem:$0x59A0];
	v61 =	vadd.f32 v42, v38;
	v43 =	vadd.f32 v63, v43  }
0x1c4: {  	v27 =	vadd.f32 v27, v29;
	v44 =	vadd.f32 v62, v44;
	v62 =	vld [tilespmem:$0x5310]  }
0x1c5: {  	v54 =	vld [tilespmem:$0x5A20];
	v43 =	vadd.f32 v53, v43;
	v63 =	vadd.f32 v58, v61  }
0x1c6: {  	v25 =	vadd.f32 v25, v27;
	v48 =	vadd.f32 v57, v48;
	v42 =	vld [tilespmem:$0x5790]  }
0x1c7: {  	v57 =	vld [tilespmem:$0x53A0];
	v36 =	vadd.f32 v55, v43;
	v43 =	vadd.f32 v60, v63  }
0x1c8: {  	v33 =	vld [tilespmem:$0x55A0];
	v51 =	vadd.f32 v28, v30;
	v44 =	vadd.f32 v52, v44  }
0x1c9: {  	v49 =	vadd.f32 v56, v49;
	v56 =	vld [tilespmem:$0x5AA0];
	v46 =	vadd.f32 v62, v43  }
0x1ca: {  	v29 =	vld [tilespmem:$0x5B20];
	v23 =	vadd.f32 v23, v25;
	v44 =	vadd.f32 v54, v44  }
0x1cb: {  	v38 =	vld [tilespmem:$0x4E90];
	v54 =	vadd.f32 v26, v51;
	v22 =	vadd.f32 v42, v46  }
0x1cc: {  	v21 =	vadd.f32 v21, v23;
	v53 =	vld [tilespmem:$0x5910];
	v36 =	vadd.f32 v57, v36  }
0x1cd: {  	v59 =	vld [tilespmem:$0x5420];
	v57 =	vadd.f32 v24, v54;
	v20 =	vadd.f32 v45, v22  }
0x1ce: {  	v19 =	vadd.f32 v19, v21;
	v39 =	vadd.f32 v56, v44;
	v56 =	vld [tilespmem:$0x5990]  }
0x1cf: {  	v44 =	vld [tilespmem:$0x5390];
	v60 =	vadd.f32 v41, v57;
	v18 =	vadd.f32 v50, v20  }
0x1d0: {  	v9 =	vadd.f32 v9, v10;
	v17 =	vadd.f32 v17, v19;
	v62 =	vld [tilespmem:$0x5A10]  }
0x1d1: {  	v23 =	vld [tilespmem:$0x5A90];
	v63 =	vadd.f32 v38, v60;
	v16 =	vadd.f32 v53, v18  }
0x1d2: {  	v8 =	vadd.f32 v8, v9;
	v15 =	vadd.f32 v15, v17;
	v47 =	vld [tilespmem:$0x5410]  }
0x1d3: {  	v52 =	vld [tilespmem:$0x5490];
	v14 =	vadd.f32 v56, v16;
	v16 =	vadd.f32 v40, v63  }
0x1d4: {  	v7 =	vadd.f32 v7, v8;
	v13 =	vadd.f32 v13, v15;
	v26 =	vld [tilespmem:$0x5B10]  }
0x1d5: {  	v24 =	vld [tilespmem:$0x54A0];
	v10 =	vadd.f32 v62, v14;
	v27 =	vadd.f32 v44, v16  }
0x1d6: {  	v6 =	vadd.f32 v6, v7;
	v11 =	vadd.f32 v11, v13;
	v55 =	vld [tilespmem:$0x5510]  }
0x1d7: {  	v30 =	vld [tilespmem:$0x5520];
	v9 =	vadd.f32 v23, v10;
	v31 =	vadd.f32 v47, v27  }
0x1d8: {  	v4 =	vadd.f32 v4, v6;
	(erf) = vrcp.f32 v11;
	v58 =	vld [tilespmem:$0x5590];
	v35 =	vadd.f32 v59, v36  }
0x1d9: {  	v21 =	vld [tilespmem:$0x5710];
	v8 =	vadd.f32 v26, v9;
	v34 =	vadd.f32 v52, v31  }
0x1da: {  	v3 =	vadd.f32 v3, v4;
	v59 =	vld [tilespmem:$0x5610];
	v5 =	vadd.f32 v24, v35  }
0x1db: {  	v61 =	vld [tilespmem:$0x5690];
	v36 =	vadd.f32 v29, v39;
	v38 =	vadd.f32 v55, v34;
	(erf) = vrcp.f32 v8  }
0x1dc: {  	v2 =	vadd.f32 v2, v3;
	v35 =	vld [tilespmem:$0x55B0];
	v5 =	vadd.f32 v30, v5  }
0x1dd: {  	v41 =	vld [tilespmem:$0x56A0];
	(erf) = vrcp.f32 v36;
	v42 =	vadd.f32 v58, v38  }
0x1de: {  	v1 =	vadd.f32 v1, v2;
	v39 =	vld [tilespmem:$0x5630];
	v5 =	vadd.f32 v33, v5  }
0x1df: {  	v40 =	vadd.f32 v32, v48;
	v44 =	vld [tilespmem:$0x5720];
	(erf) = vrcp.f32 v49;
	v45 =	vadd.f32 v59, v42  }
0x1e0: {  	v0 =	vadd.f32 v0, v1;
	v43 =	vld [tilespmem:$0x56B0];
	v4 =	vadd.f32 v37, v5  }
0x1e1: {  	s30 =	spop (v2sf);
	v48 =	vpop (erf);
	v9 =	vadd.f32 v35, v40;
	v49 =	vadd.f32 v61, v45  }
0x1e2: {  	s3 =	sadd.s32 $0x1, s30;
	v54 =	vlaneseq.u32;
	v50 =	vld [tilespmem:$0x5730];
	v0 =	vmul.f32 v48, v0;
	v47 =	vadd.f32 v41, v4  }
0x1e3: {  	v53 =	vmov s3;
	v46 =	vadd.f32 v39, v9;
	v51 =	vadd.f32 v21, v49  }
0x1e4: {  	vm0 =	vgt.s32 v53, v54;
	v0 =	vadd.f32 $0.0e+00, v0;
	v1 =	vadd.f32 v44, v47;
	v52 =	vpop (erf)  }
0x1e5: {  	v55 =	vor.u32 $0x10, v54;
	v6 =	vadd.f32 v43, v46;
	v2 =	vmul.f32 v52, v51  }
0x1e6: {  	v57 =	vor.u32 $0x20, v54;
	v0 =	vnsel vm0, $0x0, v0;
	vm13 =	vgt.s32 v53, v55;
	v56 =	vpop (erf)  }
0x1e7: {  	v5 =	vadd.f32 v50, v6;
	v1 =	vmul.f32 v56, v1;
	v2 =	vnsel vm13, $0x0, v2  }
0x1e8: {  	vm14 =	vgt.s32 v53, v57;
	v58 =	vpop (erf);
	v0 =	vadd.f32 v2, v0  }
0x1e9: {  	v59 =	vor.u32 $0x30, v54;
	v2 =	vmul.f32 v58, v5;
	v1 =	vnsel vm14, $0x0, v1  }
0x1ea: {  	vm15 =	vgt.s32 v53, v59;
	v0 =	vadd.f32 v1, v0  }
0x1eb: {  	v60 =	vnsel vm15, $0x0, v2  }
0x1ec: {  	v0 =	vadd.f32 v60, v0;
	_ =	sdelay $0x1  }
0x1ed: {  	s3 =	scvt.s32.f32 s3;
	(xrf2) =	vadd.scan.msk.f32 $0xffff, v0;
	_ =	sdelay $0x1  }
0x1ee: {  	v61 =	vmov s3  }
0x1ef: {  	(erf) = vrcp.f32 v61;
	_ =	sdelay $0x6  }
0x1f0: {  	v62, _, _ =	vpop (xrf2)  }
0x1f1: {  	v0 =	vbroadcast v62, $0xF  }
0x1f2: {  	v63 =	vpop (erf)  }
0x1f3: {  	v0 =	vmul.f32 v0, v63;
	_ =	sdelay $0x1  }
0x1f4: {  	v0 =	vmul.f32 $1.000000000e+04, v0;
	_ =	sdelay $0x1  }
0x1f5: {  	s31 =	simm.s32 $0x5C00;
	[tilespmem:$0x5C00] =	vst v0  }
0x1f6: {  	[hbm4b:s1+s28] =	stream.linear.scatter [tilespmem:s31], [sflag:$0x4], $0x80, $0x38;
	[tilespmem:$0x5C80] =	vst v63  }
0x1f7: {  	_ =	swait.ge [sflag:s5], $0x80  }
0x1f8: {  	[sflag:s5] =	ssyncset.done $0x0  }
0x1f9: {  	[sflag:s5] =	ssyncadd.s32 $0xFFFFFF80  }
0x1fa: {  	_ =	sfence.sel $0x180000  }
0x1fb: {  	[bflag:$0x0] =	sbarrier.arrive $0xFFFF  }
0x1fc: {  	_ =	strace $0x90000047  }
0x1fd: {  	s0 =	sadd.s32 $0x100000, s0;
	[bflag:$0x2] =	sbarrier.arrive $0xFFFF  }
0x1fe: {  	[sflag:s0] =	ssyncadd.tile.s32 $0x1;
	_ =	shalt  }
.Lfunc_end2:
_tile_overlayer_lowered:
.L_overlay_start_2:
0x1ff: {  	(tag) =	ssettag $0x2  }
0x200: {  	s0 =	rddreg [dreg:$0x0];
	s2 =	stileid.u32  }
0x201: {  	s1 =	rddreg [dreg:$0x1];
	p0 =	sne.s32 s2, $0x0  }
0x202: {  	s3 =	rddreg [dreg:$0x2];
	[bflag:$0x3] =	sbarrier.arrive $0xFFFF;
	s2 =	simm.s32 @!p0 $0x1C04  }
0x203: {  	[timem:s3], [sflag:s2] =	dma.local @!p0 [hbm:s0], s1  }
0x204: {  	s0 =	simm.s32 @!p0 $0x4  }
0x205: {  	_ =	swait.ge @!p0 [sflag:s0], s1  }
0x206: {  	s1 =	ssub.s32 @!p0 $0x0, s1;
	[sflag:s0] =	ssyncset.done @!p0 $0x0  }
0x207: {  	[sflag:s0] =	ssyncadd.s32 @!p0 s1  }
0x208: {  	[bflag:$0x3] =	sbarrier.arrive $0xFFFF  }
0x209: {  	_ =	shalt  }

</sc_bundles>
